<compile_context>
chip_gen: v7x
topology: tpu7x:2x2x1
jax: 0.10.2.dev20260603
libtpu: 0.0.44.dev20260713+nightly
codegen_flags: <defaults>
</compile_context>

<pallas_src>
import jax
import jax.numpy as jnp
from jax import lax
from jax.experimental import pallas as pl
from jax.experimental.pallas import tpu as pltpu
from jax.experimental.pallas import tpu_sc as plsc

N = 10000
D = 128
DH = D // 2
E = 320000
NC = 2
NS = 16
EPT = E // NS
CH = 80
NCHUNK = EPT // CH
ROWS_PT = 624
NBUF = 5
LOOK = 3
ZROWS = 104


def _seg_sum_body(x2_hbm, src_hbm, dst_hbm, out_hbm,
                  src_v, dst_v, zbuf, agg_sh, *bufs):
    rows = bufs[:NBUF]
    gsem = bufs[NBUF:2 * NBUF]
    ssem = bufs[2 * NBUF:]
    c = lax.axis_index("c")
    s = lax.axis_index("s")

    pltpu.sync_copy(src_hbm.at[s], src_v)
    pltpu.sync_copy(dst_hbm.at[s], dst_v)

    def _xform(r, carry):
        for k in range(CH // 16):
            sl = pl.ds(k * 16, 16)
            src_v[r, sl] = src_v[r, sl] * 2 + c
        return carry
    lax.fori_loop(0, NCHUNK, _xform, 0)

    def _zrow(r, carry):
        for k in range(DH // 16):
            zbuf[r, pl.ds(k * 16, 16)] = jnp.zeros((16,), jnp.float32)
        return carry
    lax.fori_loop(0, ZROWS, _zrow, 0)
    for k in range(ROWS_PT // ZROWS):
        pltpu.sync_copy(zbuf, agg_sh.at[pl.ds(s * ROWS_PT + k * ZROWS, ZROWS)])

    @pl.when(s == NS - 1)
    def _():
        pltpu.sync_copy(zbuf.at[pl.ds(0, 16)],
                        agg_sh.at[pl.ds(NS * ROWS_PT, N - NS * ROWS_PT)])
    plsc.subcore_barrier()

    x_hbm = x2_hbm
    for j in range(LOOK):
        pltpu.async_copy(x_hbm.at[src_v.at[j]], rows[j], gsem[j])

    def _step(jj, carry):
        for b in range(NBUF):
            j = jj * NBUF + b
            nb = (b + LOOK) % NBUF

            def _wait_scatter():
                pltpu.make_async_copy(
                    rows[nb], agg_sh.at[dst_v.at[0]], ssem[nb]).wait()

            if b + LOOK >= NBUF:
                _wait_scatter()
            else:
                pl.when(jj > 0)(_wait_scatter)

            @pl.when(j + LOOK < NCHUNK)
            def _():
                pltpu.async_copy(x_hbm.at[src_v.at[j + LOOK]], rows[nb],
                                 gsem[nb])

            pltpu.make_async_copy(x_hbm.at[src_v.at[j]], rows[b],
                                  gsem[b]).wait()
            pltpu.async_copy(rows[b], agg_sh.at[dst_v.at[j]], ssem[b],
                             add=True)
        return carry

    lax.fori_loop(0, NCHUNK // NBUF, _step, 0)
    for j in range(NCHUNK - (NBUF - LOOK), NCHUNK):
        pltpu.make_async_copy(rows[j % NBUF], agg_sh.at[dst_v.at[0]],
                              ssem[j % NBUF]).wait()
    plsc.subcore_barrier()

    @pl.when(s < NS - 1)
    def _():
        pltpu.sync_copy(agg_sh.at[pl.ds(s * ROWS_PT, ROWS_PT)],
                        out_hbm.at[pl.ds(s * ROWS_PT, ROWS_PT),
                                   pl.ds(c * DH, DH)])

    @pl.when(s == NS - 1)
    def _():
        last = N - (NS - 1) * ROWS_PT
        pltpu.sync_copy(agg_sh.at[pl.ds((NS - 1) * ROWS_PT, last)],
                        out_hbm.at[pl.ds((NS - 1) * ROWS_PT, last),
                                   pl.ds(c * DH, DH)])


def _seg_sum_sc(x2, src_r, dst_r):
    mesh = plsc.VectorSubcoreMesh(core_axis_name="c", subcore_axis_name="s")
    return pl.kernel(
        _seg_sum_body,
        mesh=mesh,
        out_type=jax.ShapeDtypeStruct((N, D), jnp.float32),
        scratch_types=(
            [pltpu.VMEM((NCHUNK, CH), jnp.int32),
             pltpu.VMEM((NCHUNK, CH), jnp.int32),
             pltpu.VMEM((ZROWS, DH), jnp.float32),
             pltpu.VMEM_SHARED((N, DH), jnp.float32)]
            + [pltpu.VMEM((CH, DH), jnp.float32)] * NBUF
            + [pltpu.SemaphoreType.DMA] * (2 * NBUF)
        ),
        compiler_params=pltpu.CompilerParams(use_tc_tiling_on_sc=False),
    )(x2, src_r, dst_r)


def _bn_relu(t, g, be):
    m = jnp.mean(t, axis=0, keepdims=True)
    ms = jnp.mean(t * t, axis=0, keepdims=True)
    a = g * lax.rsqrt(ms - m * m + 1e-5)
    return jnp.maximum(t * a + (be - m * a), 0.0)


def _mlp_body(x_ref, a_ref, w1_ref, b1_ref, g1_ref, be1_ref,
              w2_ref, b2_ref, g2_ref, be2_ref, o_ref):
    t = jnp.dot(x_ref[...] + a_ref[...], w1_ref[...],
                preferred_element_type=jnp.float32) + b1_ref[...]
    t = _bn_relu(t, g1_ref[...], be1_ref[...])
    u = jnp.dot(t, w2_ref[...], preferred_element_type=jnp.float32) + b2_ref[...]
    o_ref[...] = _bn_relu(u, g2_ref[...], be2_ref[...])


def _mlp_tc(x, agg, W1, b1, g1, be1, W2, b2, g2, be2):
    return pl.pallas_call(
        _mlp_body,
        out_shape=jax.ShapeDtypeStruct((N, D), jnp.float32),
    )(x, agg,
      W1, b1.reshape(1, -1), g1.reshape(1, -1), be1.reshape(1, -1),
      W2, b2.reshape(1, -1), g2.reshape(1, -1), be2.reshape(1, -1))


def kernel(x, edge_index, W1, b1, g1, be1, W2, b2, g2, be2):
    ei = edge_index.astype(jnp.int32)
    src_r = ei[0].reshape(NS, NCHUNK, CH)
    dst_r = ei[1].reshape(NS, NCHUNK, CH)
    x2 = x.reshape(NC * N, DH)
    agg = _seg_sum_sc(x2, src_r, dst_r)
    return _mlp_tc(x, agg, W1, b1, g1, be1, W2, b2, g2, be2)

# --- scband reference (transcript-rebuilt; emitter-appended) ---
"""Pipeline reference for scband-cluster-encoder-74947179315774 (READ-ONLY COPY).

The authoritative reference and input builder live on the scoring server;
editing this copy changes nothing except your own understanding.
"""

import jax, jax.numpy as jnp
import numpy as np

N = 10000
E = 320000
D_IN = 128
D_HID = 256
D_OUT = 128


def setup_inputs(seed: int = 0) -> dict:
    key = jax.random.key(seed)
    ks = jax.random.split(key, 12)
    x = jax.random.normal(ks[0], (N, D_IN), dtype=jnp.float32)
    edge_index = jax.random.randint(ks[1], (2, E), 0, N, dtype=jnp.int64)
    # GIN MLP params: Linear(128->256), BN(256), ReLU, Linear(256->128), BN(128), ReLU (plain_last=False)
    W1 = jax.random.normal(ks[2], (D_IN, D_HID), dtype=jnp.float32) * (1.0 / np.sqrt(D_IN))
    b1 = jnp.zeros((D_HID,), dtype=jnp.float32)
    g1 = jnp.ones((D_HID,), dtype=jnp.float32)
    be1 = jnp.zeros((D_HID,), dtype=jnp.float32)
    W2 = jax.random.normal(ks[3], (D_HID, D_OUT), dtype=jnp.float32) * (1.0 / np.sqrt(D_HID))
    b2 = jnp.zeros((D_OUT,), dtype=jnp.float32)
    g2 = jnp.ones((D_OUT,), dtype=jnp.float32)
    be2 = jnp.zeros((D_OUT,), dtype=jnp.float32)
    return {"x": x, "edge_index": edge_index, "W1": W1, "b1": b1, "g1": g1, "be1": be1,
            "W2": W2, "b2": b2, "g2": g2, "be2": be2}


def _batch_norm(h, gamma, beta, eps=1e-5):
    m = jnp.mean(h, axis=0)
    v = jnp.var(h, axis=0)
    return (h - m) / jnp.sqrt(v + eps) * gamma + beta


def reference(x, edge_index, W1, b1, g1, be1, W2, b2, g2, be2):
    # GINConv on ('clusters','near','clusters'): h = MLP((1+eps)*x + sum_{j in N(i)} x_j)
    src = edge_index[0]
    dst = edge_index[1]
    msgs = jnp.take(x, src, axis=0)
    agg = jax.ops.segment_sum(msgs, dst, num_segments=x.shape[0])
    eps = 0.0  # GINConv default eps, train_eps=False
    h = (1.0 + eps) * x + agg
    # MLP with plain_last=False: act+norm applied after every layer; dropout=0.0 (identity)
    h = jax.nn.relu(_batch_norm(h @ W1 + b1, g1, be1))
    h = jax.nn.relu(_batch_norm(h @ W2 + b2, g2, be2))
    # HeteroConv with a single relation; forward returns out['clusters']
    return h

if __name__ == "__main__":
    import jax
    _d = setup_inputs()
    print(jax.jit(kernel)(*tuple(_d.values())))

</pallas_src>

<mosaic_0001>
#map = affine_map<(d0, d1) -> (0, 0)>
#map1 = affine_map<(d0, d1) -> (0, 0, 0)>
module attributes {stable_mosaic.version = 14 : i64} {
  func.func @_seg_sum_body(%arg0: i32, %arg1: i32, %arg2: memref<20000x64xf32, #tpu.memory_space<hbm>>, %arg3: memref<16x250x80xi32, #tpu.memory_space<hbm>>, %arg4: memref<16x250x80xi32, #tpu.memory_space<hbm>>, %arg5: memref<10000x128xf32, #tpu.memory_space<hbm>>, %arg6: memref<250x80xi32, #tpu.memory_space<vmem>>, %arg7: memref<250x80xi32, #tpu.memory_space<vmem>>, %arg8: memref<104x64xf32, #tpu.memory_space<vmem>>, %arg9: memref<10000x64xf32, #tpu.memory_space<vmem_shared>>, %arg10: memref<80x64xf32, #tpu.memory_space<vmem>>, %arg11: memref<80x64xf32, #tpu.memory_space<vmem>>, %arg12: memref<80x64xf32, #tpu.memory_space<vmem>>, %arg13: memref<80x64xf32, #tpu.memory_space<vmem>>, %arg14: memref<80x64xf32, #tpu.memory_space<vmem>>, %arg15: memref<!tpu.dma_semaphore, #tpu.memory_space<semaphore_mem>>, %arg16: memref<!tpu.dma_semaphore, #tpu.memory_space<semaphore_mem>>, %arg17: memref<!tpu.dma_semaphore, #tpu.memory_space<semaphore_mem>>, %arg18: memref<!tpu.dma_semaphore, #tpu.memory_space<semaphore_mem>>, %arg19: memref<!tpu.dma_semaphore, #tpu.memory_space<semaphore_mem>>, %arg20: memref<!tpu.dma_semaphore, #tpu.memory_space<semaphore_mem>>, %arg21: memref<!tpu.dma_semaphore, #tpu.memory_space<semaphore_mem>>, %arg22: memref<!tpu.dma_semaphore, #tpu.memory_space<semaphore_mem>>, %arg23: memref<!tpu.dma_semaphore, #tpu.memory_space<semaphore_mem>>, %arg24: memref<!tpu.dma_semaphore, #tpu.memory_space<semaphore_mem>>) attributes {dimension_semantics = [#tpu.dimension_semantics<core_parallel>, #tpu.dimension_semantics<subcore_parallel>], iteration_bounds = array<i64: 2, 16>, scalar_prefetch = 0 : i64, scratch_operands = 19 : i64, tpu.core_type = #tpu.core_type<sc_vector_subcore>, window_params = [{transform_indices = #map}, {transform_indices = #map1}, {transform_indices = #map1}, {transform_indices = #map}]} {
    "tpu.region"() ({
      %run_scoped3A = tpu.sem_alloc : memref<!tpu.dma_semaphore, #tpu.memory_space<semaphore_mem>>
      %dma_start3A_84 = arith.constant 0 : i32
      %dma_start3A_85 = arith.constant 0 : i32
      %dma_start3A_86 = tpu.memref_slice %arg3[%arg1, %dma_start3A_84, %dma_start3A_85] : memref<16x250x80xi32, #tpu.memory_space<hbm>> -> memref<1x250x80xi32, #tpu.memory_space<hbm>>
      %dma_start3A_87 = tpu.memref_squeeze %dma_start3A_86 : memref<1x250x80xi32, #tpu.memory_space<hbm>> -> memref<250x80xi32, #tpu.memory_space<hbm>>
      %dma_start3A_88 = arith.constant 0 : i32
      %dma_start3A_89 = arith.constant 0 : i32
      %dma_start3A_90 = tpu.memref_slice %arg3[%arg1, %dma_start3A_88, %dma_start3A_89] : memref<16x250x80xi32, #tpu.memory_space<hbm>> -> memref<1x250x80xi32, #tpu.memory_space<hbm>>
      %dma_start3A_91 = tpu.memref_squeeze %dma_start3A_90 : memref<1x250x80xi32, #tpu.memory_space<hbm>> -> memref<250x80xi32, #tpu.memory_space<hbm>>
      tpu.enqueue_dma source(%dma_start3A_91 : memref<250x80xi32, #tpu.memory_space<hbm>>) target(%arg6 : memref<250x80xi32, #tpu.memory_space<vmem>>) target_semaphore(%run_scoped3A : memref<!tpu.dma_semaphore, #tpu.memory_space<semaphore_mem>>)
      %dma_wait3A_92 = arith.constant 0 : i32
      %dma_wait3A_93 = arith.constant 0 : i32
      %dma_wait3A_94 = tpu.memref_slice %arg3[%arg1, %dma_wait3A_92, %dma_wait3A_93] : memref<16x250x80xi32, #tpu.memory_space<hbm>> -> memref<1x250x80xi32, #tpu.memory_space<hbm>>
      %dma_wait3A_95 = tpu.memref_squeeze %dma_wait3A_94 : memref<1x250x80xi32, #tpu.memory_space<hbm>> -> memref<250x80xi32, #tpu.memory_space<hbm>>
      %dma_wait3A_96 = arith.constant 0 : i32
      %dma_wait3A_97 = arith.constant 0 : i32
      %dma_wait3A_98 = tpu.memref_slice %arg3[%arg1, %dma_wait3A_96, %dma_wait3A_97] : memref<16x250x80xi32, #tpu.memory_space<hbm>> -> memref<1x250x80xi32, #tpu.memory_space<hbm>>
      %dma_wait3A_99 = tpu.memref_squeeze %dma_wait3A_98 : memref<1x250x80xi32, #tpu.memory_space<hbm>> -> memref<250x80xi32, #tpu.memory_space<hbm>>
      tpu.wait_dma2 semaphore(%run_scoped3A : memref<!tpu.dma_semaphore, #tpu.memory_space<semaphore_mem>>) src(%dma_wait3A_99 : memref<250x80xi32, #tpu.memory_space<hbm>>) dst(%arg6 : memref<250x80xi32, #tpu.memory_space<vmem>>)
      tpu.yield
    }) : () -> ()
    "tpu.region"() ({
      %run_scoped3A = tpu.sem_alloc : memref<!tpu.dma_semaphore, #tpu.memory_space<semaphore_mem>>
      %dma_start3A_84 = arith.constant 0 : i32
      %dma_start3A_85 = arith.constant 0 : i32
      %dma_start3A_86 = tpu.memref_slice %arg4[%arg1, %dma_start3A_84, %dma_start3A_85] : memref<16x250x80xi32, #tpu.memory_space<hbm>> -> memref<1x250x80xi32, #tpu.memory_space<hbm>>
      %dma_start3A_87 = tpu.memref_squeeze %dma_start3A_86 : memref<1x250x80xi32, #tpu.memory_space<hbm>> -> memref<250x80xi32, #tpu.memory_space<hbm>>
      %dma_start3A_88 = arith.constant 0 : i32
      %dma_start3A_89 = arith.constant 0 : i32
      %dma_start3A_90 = tpu.memref_slice %arg4[%arg1, %dma_start3A_88, %dma_start3A_89] : memref<16x250x80xi32, #tpu.memory_space<hbm>> -> memref<1x250x80xi32, #tpu.memory_space<hbm>>
      %dma_start3A_91 = tpu.memref_squeeze %dma_start3A_90 : memref<1x250x80xi32, #tpu.memory_space<hbm>> -> memref<250x80xi32, #tpu.memory_space<hbm>>
      tpu.enqueue_dma source(%dma_start3A_91 : memref<250x80xi32, #tpu.memory_space<hbm>>) target(%arg7 : memref<250x80xi32, #tpu.memory_space<vmem>>) target_semaphore(%run_scoped3A : memref<!tpu.dma_semaphore, #tpu.memory_space<semaphore_mem>>)
      %dma_wait3A_92 = arith.constant 0 : i32
      %dma_wait3A_93 = arith.constant 0 : i32
      %dma_wait3A_94 = tpu.memref_slice %arg4[%arg1, %dma_wait3A_92, %dma_wait3A_93] : memref<16x250x80xi32, #tpu.memory_space<hbm>> -> memref<1x250x80xi32, #tpu.memory_space<hbm>>
      %dma_wait3A_95 = tpu.memref_squeeze %dma_wait3A_94 : memref<1x250x80xi32, #tpu.memory_space<hbm>> -> memref<250x80xi32, #tpu.memory_space<hbm>>
      %dma_wait3A_96 = arith.constant 0 : i32
      %dma_wait3A_97 = arith.constant 0 : i32
      %dma_wait3A_98 = tpu.memref_slice %arg4[%arg1, %dma_wait3A_96, %dma_wait3A_97] : memref<16x250x80xi32, #tpu.memory_space<hbm>> -> memref<1x250x80xi32, #tpu.memory_space<hbm>>
      %dma_wait3A_99 = tpu.memref_squeeze %dma_wait3A_98 : memref<1x250x80xi32, #tpu.memory_space<hbm>> -> memref<250x80xi32, #tpu.memory_space<hbm>>
      tpu.wait_dma2 semaphore(%run_scoped3A : memref<!tpu.dma_semaphore, #tpu.memory_space<semaphore_mem>>) src(%dma_wait3A_99 : memref<250x80xi32, #tpu.memory_space<hbm>>) dst(%arg7 : memref<250x80xi32, #tpu.memory_space<vmem>>)
      tpu.yield
    }) : () -> ()
    %scan3A = arith.constant 0 : i32
    %scan3A_0 = arith.constant 0 : i32
    %scan3A_1 = arith.constant 250 : i32
    %scan3A_2 = arith.addi %scan3A_0, %scan3A_1 : i32
    %scan3A_3 = arith.constant 1 : i32
    scf.for %scan3A_84 = %scan3A_0 to %scan3A_2 step %scan3A_3  : i32 {
      %get3A = arith.index_cast %scan3A_84 : i32 to index
      %get3A_85 = arith.constant 0 : index
      %get3A_86 = tpu.vector_load %arg6[%get3A, %get3A_85] {strides = array<i32>} : memref<250x80xi32, #tpu.memory_space<vmem>>, vector<1x16xi32>,
      %get3A_87 = vector.shape_cast %get3A_86 : vector<1x16xi32> to vector<16xi32>
      %mul3A_88 = arith.constant 2 : i32
      %mul3A_89 = vector.broadcast %mul3A_88 : i32 to vector<16xi32>
      %mul3A_90 = arith.muli %get3A_87, %mul3A_89 : vector<16xi32>
      %add3A_91 = vector.broadcast %arg0 : i32 to vector<16xi32>
      %add3A_92 = arith.addi %mul3A_90, %add3A_91 : vector<16xi32>
      %swap3A = arith.index_cast %scan3A_84 : i32 to index
      %swap3A_93 = arith.constant 0 : index
      %swap3A_94 = tpu.vector_load %arg6[%swap3A, %swap3A_93] {strides = array<i32>} : memref<250x80xi32, #tpu.memory_space<vmem>>, vector<1x16xi32>,
      %swap3A_95 = vector.shape_cast %swap3A_94 : vector<1x16xi32> to vector<16xi32>
      %swap3A_96 = vector.shape_cast %add3A_92 : vector<16xi32> to vector<1x16xi32>
      tpu.vector_store %arg6[%swap3A, %swap3A_93], %swap3A_96 {strides = array<i32>} : memref<250x80xi32, #tpu.memory_space<vmem>>, vector<1x16xi32>,
      %get3A_97 = arith.index_cast %scan3A_84 : i32 to index
      %get3A_98 = arith.constant 16 : index
      %get3A_99 = tpu.vector_load %arg6[%get3A_97, %get3A_98] {strides = array<i32>} : memref<250x80xi32, #tpu.memory_space<vmem>>, vector<1x16xi32>,
      %get3A_100 = vector.shape_cast %get3A_99 : vector<1x16xi32> to vector<16xi32>
      %mul3A_101 = arith.constant 2 : i32
      %mul3A_102 = vector.broadcast %mul3A_101 : i32 to vector<16xi32>
      %mul3A_103 = arith.muli %get3A_100, %mul3A_102 : vector<16xi32>
      %add3A_104 = vector.broadcast %arg0 : i32 to vector<16xi32>
      %add3A_105 = arith.addi %mul3A_103, %add3A_104 : vector<16xi32>
      %swap3A_106 = arith.index_cast %scan3A_84 : i32 to index
      %swap3A_107 = arith.constant 16 : index
      %swap3A_108 = tpu.vector_load %arg6[%swap3A_106, %swap3A_107] {strides = array<i32>} : memref<250x80xi32, #tpu.memory_space<vmem>>, vector<1x16xi32>,
      %swap3A_109 = vector.shape_cast %swap3A_108 : vector<1x16xi32> to vector<16xi32>
      %swap3A_110 = vector.shape_cast %add3A_105 : vector<16xi32> to vector<1x16xi32>
      tpu.vector_store %arg6[%swap3A_106, %swap3A_107], %swap3A_110 {strides = array<i32>} : memref<250x80xi32, #tpu.memory_space<vmem>>, vector<1x16xi32>,
      %get3A_111 = arith.index_cast %scan3A_84 : i32 to index
      %get3A_112 = arith.constant 32 : index
      %get3A_113 = tpu.vector_load %arg6[%get3A_111, %get3A_112] {strides = array<i32>} : memref<250x80xi32, #tpu.memory_space<vmem>>, vector<1x16xi32>,
      %get3A_114 = vector.shape_cast %get3A_113 : vector<1x16xi32> to vector<16xi32>
      %mul3A_115 = arith.constant 2 : i32
      %mul3A_116 = vector.broadcast %mul3A_115 : i32 to vector<16xi32>
      %mul3A_117 = arith.muli %get3A_114, %mul3A_116 : vector<16xi32>
      %add3A_118 = vector.broadcast %arg0 : i32 to vector<16xi32>
      %add3A_119 = arith.addi %mul3A_117, %add3A_118 : vector<16xi32>
      %swap3A_120 = arith.index_cast %scan3A_84 : i32 to index
      %swap3A_121 = arith.constant 32 : index
      %swap3A_122 = tpu.vector_load %arg6[%swap3A_120, %swap3A_121] {strides = array<i32>} : memref<250x80xi32, #tpu.memory_space<vmem>>, vector<1x16xi32>,
      %swap3A_123 = vector.shape_cast %swap3A_122 : vector<1x16xi32> to vector<16xi32>
      %swap3A_124 = vector.shape_cast %add3A_119 : vector<16xi32> to vector<1x16xi32>
      tpu.vector_store %arg6[%swap3A_120, %swap3A_121], %swap3A_124 {strides = array<i32>} : memref<250x80xi32, #tpu.memory_space<vmem>>, vector<1x16xi32>,
      %get3A_125 = arith.index_cast %scan3A_84 : i32 to index
      %get3A_126 = arith.constant 48 : index
      %get3A_127 = tpu.vector_load %arg6[%get3A_125, %get3A_126] {strides = array<i32>} : memref<250x80xi32, #tpu.memory_space<vmem>>, vector<1x16xi32>,
      %get3A_128 = vector.shape_cast %get3A_127 : vector<1x16xi32> to vector<16xi32>
      %mul3A_129 = arith.constant 2 : i32
      %mul3A_130 = vector.broadcast %mul3A_129 : i32 to vector<16xi32>
      %mul3A_131 = arith.muli %get3A_128, %mul3A_130 : vector<16xi32>
      %add3A_132 = vector.broadcast %arg0 : i32 to vector<16xi32>
      %add3A_133 = arith.addi %mul3A_131, %add3A_132 : vector<16xi32>
      %swap3A_134 = arith.index_cast %scan3A_84 : i32 to index
      %swap3A_135 = arith.constant 48 : index
      %swap3A_136 = tpu.vector_load %arg6[%swap3A_134, %swap3A_135] {strides = array<i32>} : memref<250x80xi32, #tpu.memory_space<vmem>>, vector<1x16xi32>,
      %swap3A_137 = vector.shape_cast %swap3A_136 : vector<1x16xi32> to vector<16xi32>
      %swap3A_138 = vector.shape_cast %add3A_133 : vector<16xi32> to vector<1x16xi32>
      tpu.vector_store %arg6[%swap3A_134, %swap3A_135], %swap3A_138 {strides = array<i32>} : memref<250x80xi32, #tpu.memory_space<vmem>>, vector<1x16xi32>,
      %get3A_139 = arith.index_cast %scan3A_84 : i32 to index
      %get3A_140 = arith.constant 64 : index
      %get3A_141 = tpu.vector_load %arg6[%get3A_139, %get3A_140] {strides = array<i32>} : memref<250x80xi32, #tpu.memory_space<vmem>>, vector<1x16xi32>,
      %get3A_142 = vector.shape_cast %get3A_141 : vector<1x16xi32> to vector<16xi32>
      %mul3A_143 = arith.constant 2 : i32
      %mul3A_144 = vector.broadcast %mul3A_143 : i32 to vector<16xi32>
      %mul3A_145 = arith.muli %get3A_142, %mul3A_144 : vector<16xi32>
      %add3A_146 = vector.broadcast %arg0 : i32 to vector<16xi32>
      %add3A_147 = arith.addi %mul3A_145, %add3A_146 : vector<16xi32>
      %swap3A_148 = arith.index_cast %scan3A_84 : i32 to index
      %swap3A_149 = arith.constant 64 : index
      %swap3A_150 = tpu.vector_load %arg6[%swap3A_148, %swap3A_149] {strides = array<i32>} : memref<250x80xi32, #tpu.memory_space<vmem>>, vector<1x16xi32>,
      %swap3A_151 = vector.shape_cast %swap3A_150 : vector<1x16xi32> to vector<16xi32>
      %swap3A_152 = vector.shape_cast %add3A_147 : vector<16xi32> to vector<1x16xi32>
      tpu.vector_store %arg6[%swap3A_148, %swap3A_149], %swap3A_152 {strides = array<i32>} : memref<250x80xi32, #tpu.memory_space<vmem>>, vector<1x16xi32>,
    }
    %scan3A_4 = arith.constant 250 : i32
    %scan3A_5 = arith.constant 0 : i32
    %scan3A_6 = arith.constant 0 : i32
    %scan3A_7 = arith.constant 104 : i32
    %scan3A_8 = arith.addi %scan3A_6, %scan3A_7 : i32
    %scan3A_9 = arith.constant 1 : i32
    scf.for %scan3A_84 = %scan3A_6 to %scan3A_8 step %scan3A_9  : i32 {
      %broadcast_in_dim3A = arith.constant 0.000000e+00 : f32
      %broadcast_in_dim3A_85 = vector.broadcast %broadcast_in_dim3A : f32 to vector<16xf32>
      %swap3A = arith.index_cast %scan3A_84 : i32 to index
      %swap3A_86 = arith.constant 0 : index
      %swap3A_87 = tpu.vector_load %arg8[%swap3A, %swap3A_86] {strides = array<i32>} : memref<104x64xf32, #tpu.memory_space<vmem>>, vector<1x16xf32>,
      %swap3A_88 = vector.shape_cast %swap3A_87 : vector<1x16xf32> to vector<16xf32>
      %swap3A_89 = vector.shape_cast %broadcast_in_dim3A_85 : vector<16xf32> to vector<1x16xf32>
      tpu.vector_store %arg8[%swap3A, %swap3A_86], %swap3A_89 {strides = array<i32>} : memref<104x64xf32, #tpu.memory_space<vmem>>, vector<1x16xf32>,
      %broadcast_in_dim3A_90 = arith.constant 0.000000e+00 : f32
      %broadcast_in_dim3A_91 = vector.broadcast %broadcast_in_dim3A_90 : f32 to vector<16xf32>
      %swap3A_92 = arith.index_cast %scan3A_84 : i32 to index
      %swap3A_93 = arith.constant 16 : index
      %swap3A_94 = tpu.vector_load %arg8[%swap3A_92, %swap3A_93] {strides = array<i32>} : memref<104x64xf32, #tpu.memory_space<vmem>>, vector<1x16xf32>,
      %swap3A_95 = vector.shape_cast %swap3A_94 : vector<1x16xf32> to vector<16xf32>
      %swap3A_96 = vector.shape_cast %broadcast_in_dim3A_91 : vector<16xf32> to vector<1x16xf32>
      tpu.vector_store %arg8[%swap3A_92, %swap3A_93], %swap3A_96 {strides = array<i32>} : memref<104x64xf32, #tpu.memory_space<vmem>>, vector<1x16xf32>,
      %broadcast_in_dim3A_97 = arith.constant 0.000000e+00 : f32
      %broadcast_in_dim3A_98 = vector.broadcast %broadcast_in_dim3A_97 : f32 to vector<16xf32>
      %swap3A_99 = arith.index_cast %scan3A_84 : i32 to index
      %swap3A_100 = arith.constant 32 : index
      %swap3A_101 = tpu.vector_load %arg8[%swap3A_99, %swap3A_100] {strides = array<i32>} : memref<104x64xf32, #tpu.memory_space<vmem>>, vector<1x16xf32>,
      %swap3A_102 = vector.shape_cast %swap3A_101 : vector<1x16xf32> to vector<16xf32>
      %swap3A_103 = vector.shape_cast %broadcast_in_dim3A_98 : vector<16xf32> to vector<1x16xf32>
      tpu.vector_store %arg8[%swap3A_99, %swap3A_100], %swap3A_103 {strides = array<i32>} : memref<104x64xf32, #tpu.memory_space<vmem>>, vector<1x16xf32>,
      %broadcast_in_dim3A_104 = arith.constant 0.000000e+00 : f32
      %broadcast_in_dim3A_105 = vector.broadcast %broadcast_in_dim3A_104 : f32 to vector<16xf32>
      %swap3A_106 = arith.index_cast %scan3A_84 : i32 to index
      %swap3A_107 = arith.constant 48 : index
      %swap3A_108 = tpu.vector_load %arg8[%swap3A_106, %swap3A_107] {strides = array<i32>} : memref<104x64xf32, #tpu.memory_space<vmem>>, vector<1x16xf32>,
      %swap3A_109 = vector.shape_cast %swap3A_108 : vector<1x16xf32> to vector<16xf32>
      %swap3A_110 = vector.shape_cast %broadcast_in_dim3A_105 : vector<16xf32> to vector<1x16xf32>
      tpu.vector_store %arg8[%swap3A_106, %swap3A_107], %swap3A_110 {strides = array<i32>} : memref<104x64xf32, #tpu.memory_space<vmem>>, vector<1x16xf32>,
    }
    %scan3A_10 = arith.constant 104 : i32
    %mul3A = arith.constant 624 : i32
    %mul3A_11 = arith.muli %arg1, %mul3A : i32
    %add3A = arith.constant 0 : i32
    %add3A_12 = arith.addi %mul3A_11, %add3A : i32
    "tpu.region"() ({
      %run_scoped3A = tpu.sem_alloc : memref<!tpu.dma_semaphore, #tpu.memory_space<semaphore_mem>>
      %dma_start3A_84 = arith.constant 0 : i32
      %dma_start3A_85 = tpu.memref_slice %arg9[%add3A_12, %dma_start3A_84] : memref<10000x64xf32, #tpu.memory_space<vmem_shared>> -> memref<104x64xf32, #tpu.memory_space<vmem_shared>>
      %dma_start3A_86 = arith.constant 0 : i32
      %dma_start3A_87 = tpu.memref_slice %arg9[%add3A_12, %dma_start3A_86] : memref<10000x64xf32, #tpu.memory_space<vmem_shared>> -> memref<104x64xf32, #tpu.memory_space<vmem_shared>>
      tpu.enqueue_dma source(%arg8 : memref<104x64xf32, #tpu.memory_space<vmem>>) target(%dma_start3A_87 : memref<104x64xf32, #tpu.memory_space<vmem_shared>>) target_semaphore(%run_scoped3A : memref<!tpu.dma_semaphore, #tpu.memory_space<semaphore_mem>>)
      %dma_wait3A_88 = arith.constant 0 : i32
      %dma_wait3A_89 = tpu.memref_slice %arg9[%add3A_12, %dma_wait3A_88] : memref<10000x64xf32, #tpu.memory_space<vmem_shared>> -> memref<104x64xf32, #tpu.memory_space<vmem_shared>>
      %dma_wait3A_90 = arith.constant 0 : i32
      %dma_wait3A_91 = tpu.memref_slice %arg9[%add3A_12, %dma_wait3A_90] : memref<10000x64xf32, #tpu.memory_space<vmem_shared>> -> memref<104x64xf32, #tpu.memory_space<vmem_shared>>
      tpu.wait_dma2 semaphore(%run_scoped3A : memref<!tpu.dma_semaphore, #tpu.memory_space<semaphore_mem>>) src(%arg8 : memref<104x64xf32, #tpu.memory_space<vmem>>) dst(%dma_wait3A_91 : memref<104x64xf32, #tpu.memory_space<vmem_shared>>)
      tpu.yield
    }) : () -> ()
    %mul3A_13 = arith.constant 624 : i32
    %mul3A_14 = arith.muli %arg1, %mul3A_13 : i32
    %add3A_15 = arith.constant 104 : i32
    %add3A_16 = arith.addi %mul3A_14, %add3A_15 : i32
    "tpu.region"() ({
      %run_scoped3A = tpu.sem_alloc : memref<!tpu.dma_semaphore, #tpu.memory_space<semaphore_mem>>
      %dma_start3A_84 = arith.constant 0 : i32
      %dma_start3A_85 = tpu.memref_slice %arg9[%add3A_16, %dma_start3A_84] : memref<10000x64xf32, #tpu.memory_space<vmem_shared>> -> memref<104x64xf32, #tpu.memory_space<vmem_shared>>
      %dma_start3A_86 = arith.constant 0 : i32
      %dma_start3A_87 = tpu.memref_slice %arg9[%add3A_16, %dma_start3A_86] : memref<10000x64xf32, #tpu.memory_space<vmem_shared>> -> memref<104x64xf32, #tpu.memory_space<vmem_shared>>
      tpu.enqueue_dma source(%arg8 : memref<104x64xf32, #tpu.memory_space<vmem>>) target(%dma_start3A_87 : memref<104x64xf32, #tpu.memory_space<vmem_shared>>) target_semaphore(%run_scoped3A : memref<!tpu.dma_semaphore, #tpu.memory_space<semaphore_mem>>)
      %dma_wait3A_88 = arith.constant 0 : i32
      %dma_wait3A_89 = tpu.memref_slice %arg9[%add3A_16, %dma_wait3A_88] : memref<10000x64xf32, #tpu.memory_space<vmem_shared>> -> memref<104x64xf32, #tpu.memory_space<vmem_shared>>
      %dma_wait3A_90 = arith.constant 0 : i32
      %dma_wait3A_91 = tpu.memref_slice %arg9[%add3A_16, %dma_wait3A_90] : memref<10000x64xf32, #tpu.memory_space<vmem_shared>> -> memref<104x64xf32, #tpu.memory_space<vmem_shared>>
      tpu.wait_dma2 semaphore(%run_scoped3A : memref<!tpu.dma_semaphore, #tpu.memory_space<semaphore_mem>>) src(%arg8 : memref<104x64xf32, #tpu.memory_space<vmem>>) dst(%dma_wait3A_91 : memref<104x64xf32, #tpu.memory_space<vmem_shared>>)
      tpu.yield
    }) : () -> ()
    %mul3A_17 = arith.constant 624 : i32
    %mul3A_18 = arith.muli %arg1, %mul3A_17 : i32
    %add3A_19 = arith.constant 208 : i32
    %add3A_20 = arith.addi %mul3A_18, %add3A_19 : i32
    "tpu.region"() ({
      %run_scoped3A = tpu.sem_alloc : memref<!tpu.dma_semaphore, #tpu.memory_space<semaphore_mem>>
      %dma_start3A_84 = arith.constant 0 : i32
      %dma_start3A_85 = tpu.memref_slice %arg9[%add3A_20, %dma_start3A_84] : memref<10000x64xf32, #tpu.memory_space<vmem_shared>> -> memref<104x64xf32, #tpu.memory_space<vmem_shared>>
      %dma_start3A_86 = arith.constant 0 : i32
      %dma_start3A_87 = tpu.memref_slice %arg9[%add3A_20, %dma_start3A_86] : memref<10000x64xf32, #tpu.memory_space<vmem_shared>> -> memref<104x64xf32, #tpu.memory_space<vmem_shared>>
      tpu.enqueue_dma source(%arg8 : memref<104x64xf32, #tpu.memory_space<vmem>>) target(%dma_start3A_87 : memref<104x64xf32, #tpu.memory_space<vmem_shared>>) target_semaphore(%run_scoped3A : memref<!tpu.dma_semaphore, #tpu.memory_space<semaphore_mem>>)
      %dma_wait3A_88 = arith.constant 0 : i32
      %dma_wait3A_89 = tpu.memref_slice %arg9[%add3A_20, %dma_wait3A_88] : memref<10000x64xf32, #tpu.memory_space<vmem_shared>> -> memref<104x64xf32, #tpu.memory_space<vmem_shared>>
      %dma_wait3A_90 = arith.constant 0 : i32
      %dma_wait3A_91 = tpu.memref_slice %arg9[%add3A_20, %dma_wait3A_90] : memref<10000x64xf32, #tpu.memory_space<vmem_shared>> -> memref<104x64xf32, #tpu.memory_space<vmem_shared>>
      tpu.wait_dma2 semaphore(%run_scoped3A : memref<!tpu.dma_semaphore, #tpu.memory_space<semaphore_mem>>) src(%arg8 : memref<104x64xf32, #tpu.memory_space<vmem>>) dst(%dma_wait3A_91 : memref<104x64xf32, #tpu.memory_space<vmem_shared>>)
      tpu.yield
    }) : () -> ()
    %mul3A_21 = arith.constant 624 : i32
    %mul3A_22 = arith.muli %arg1, %mul3A_21 : i32
    %add3A_23 = arith.constant 312 : i32
    %add3A_24 = arith.addi %mul3A_22, %add3A_23 : i32
    "tpu.region"() ({
      %run_scoped3A = tpu.sem_alloc : memref<!tpu.dma_semaphore, #tpu.memory_space<semaphore_mem>>
      %dma_start3A_84 = arith.constant 0 : i32
      %dma_start3A_85 = tpu.memref_slice %arg9[%add3A_24, %dma_start3A_84] : memref<10000x64xf32, #tpu.memory_space<vmem_shared>> -> memref<104x64xf32, #tpu.memory_space<vmem_shared>>
      %dma_start3A_86 = arith.constant 0 : i32
      %dma_start3A_87 = tpu.memref_slice %arg9[%add3A_24, %dma_start3A_86] : memref<10000x64xf32, #tpu.memory_space<vmem_shared>> -> memref<104x64xf32, #tpu.memory_space<vmem_shared>>
      tpu.enqueue_dma source(%arg8 : memref<104x64xf32, #tpu.memory_space<vmem>>) target(%dma_start3A_87 : memref<104x64xf32, #tpu.memory_space<vmem_shared>>) target_semaphore(%run_scoped3A : memref<!tpu.dma_semaphore, #tpu.memory_space<semaphore_mem>>)
      %dma_wait3A_88 = arith.constant 0 : i32
      %dma_wait3A_89 = tpu.memref_slice %arg9[%add3A_24, %dma_wait3A_88] : memref<10000x64xf32, #tpu.memory_space<vmem_shared>> -> memref<104x64xf32, #tpu.memory_space<vmem_shared>>
      %dma_wait3A_90 = arith.constant 0 : i32
      %dma_wait3A_91 = tpu.memref_slice %arg9[%add3A_24, %dma_wait3A_90] : memref<10000x64xf32, #tpu.memory_space<vmem_shared>> -> memref<104x64xf32, #tpu.memory_space<vmem_shared>>
      tpu.wait_dma2 semaphore(%run_scoped3A : memref<!tpu.dma_semaphore, #tpu.memory_space<semaphore_mem>>) src(%arg8 : memref<104x64xf32, #tpu.memory_space<vmem>>) dst(%dma_wait3A_91 : memref<104x64xf32, #tpu.memory_space<vmem_shared>>)
      tpu.yield
    }) : () -> ()
    %mul3A_25 = arith.constant 624 : i32
    %mul3A_26 = arith.muli %arg1, %mul3A_25 : i32
    %add3A_27 = arith.constant 416 : i32
    %add3A_28 = arith.addi %mul3A_26, %add3A_27 : i32
    "tpu.region"() ({
      %run_scoped3A = tpu.sem_alloc : memref<!tpu.dma_semaphore, #tpu.memory_space<semaphore_mem>>
      %dma_start3A_84 = arith.constant 0 : i32
      %dma_start3A_85 = tpu.memref_slice %arg9[%add3A_28, %dma_start3A_84] : memref<10000x64xf32, #tpu.memory_space<vmem_shared>> -> memref<104x64xf32, #tpu.memory_space<vmem_shared>>
      %dma_start3A_86 = arith.constant 0 : i32
      %dma_start3A_87 = tpu.memref_slice %arg9[%add3A_28, %dma_start3A_86] : memref<10000x64xf32, #tpu.memory_space<vmem_shared>> -> memref<104x64xf32, #tpu.memory_space<vmem_shared>>
      tpu.enqueue_dma source(%arg8 : memref<104x64xf32, #tpu.memory_space<vmem>>) target(%dma_start3A_87 : memref<104x64xf32, #tpu.memory_space<vmem_shared>>) target_semaphore(%run_scoped3A : memref<!tpu.dma_semaphore, #tpu.memory_space<semaphore_mem>>)
      %dma_wait3A_88 = arith.constant 0 : i32
      %dma_wait3A_89 = tpu.memref_slice %arg9[%add3A_28, %dma_wait3A_88] : memref<10000x64xf32, #tpu.memory_space<vmem_shared>> -> memref<104x64xf32, #tpu.memory_space<vmem_shared>>
      %dma_wait3A_90 = arith.constant 0 : i32
      %dma_wait3A_91 = tpu.memref_slice %arg9[%add3A_28, %dma_wait3A_90] : memref<10000x64xf32, #tpu.memory_space<vmem_shared>> -> memref<104x64xf32, #tpu.memory_space<vmem_shared>>
      tpu.wait_dma2 semaphore(%run_scoped3A : memref<!tpu.dma_semaphore, #tpu.memory_space<semaphore_mem>>) src(%arg8 : memref<104x64xf32, #tpu.memory_space<vmem>>) dst(%dma_wait3A_91 : memref<104x64xf32, #tpu.memory_space<vmem_shared>>)
      tpu.yield
    }) : () -> ()
    %mul3A_29 = arith.constant 624 : i32
    %mul3A_30 = arith.muli %arg1, %mul3A_29 : i32
    %add3A_31 = arith.constant 520 : i32
    %add3A_32 = arith.addi %mul3A_30, %add3A_31 : i32
    "tpu.region"() ({
      %run_scoped3A = tpu.sem_alloc : memref<!tpu.dma_semaphore, #tpu.memory_space<semaphore_mem>>
      %dma_start3A_84 = arith.constant 0 : i32
      %dma_start3A_85 = tpu.memref_slice %arg9[%add3A_32, %dma_start3A_84] : memref<10000x64xf32, #tpu.memory_space<vmem_shared>> -> memref<104x64xf32, #tpu.memory_space<vmem_shared>>
      %dma_start3A_86 = arith.constant 0 : i32
      %dma_start3A_87 = tpu.memref_slice %arg9[%add3A_32, %dma_start3A_86] : memref<10000x64xf32, #tpu.memory_space<vmem_shared>> -> memref<104x64xf32, #tpu.memory_space<vmem_shared>>
      tpu.enqueue_dma source(%arg8 : memref<104x64xf32, #tpu.memory_space<vmem>>) target(%dma_start3A_87 : memref<104x64xf32, #tpu.memory_space<vmem_shared>>) target_semaphore(%run_scoped3A : memref<!tpu.dma_semaphore, #tpu.memory_space<semaphore_mem>>)
      %dma_wait3A_88 = arith.constant 0 : i32
      %dma_wait3A_89 = tpu.memref_slice %arg9[%add3A_32, %dma_wait3A_88] : memref<10000x64xf32, #tpu.memory_space<vmem_shared>> -> memref<104x64xf32, #tpu.memory_space<vmem_shared>>
      %dma_wait3A_90 = arith.constant 0 : i32
      %dma_wait3A_91 = tpu.memref_slice %arg9[%add3A_32, %dma_wait3A_90] : memref<10000x64xf32, #tpu.memory_space<vmem_shared>> -> memref<104x64xf32, #tpu.memory_space<vmem_shared>>
      tpu.wait_dma2 semaphore(%run_scoped3A : memref<!tpu.dma_semaphore, #tpu.memory_space<semaphore_mem>>) src(%arg8 : memref<104x64xf32, #tpu.memory_space<vmem>>) dst(%dma_wait3A_91 : memref<104x64xf32, #tpu.memory_space<vmem_shared>>)
      tpu.yield
    }) : () -> ()
    %eq3A = arith.constant 15 : i32
    %eq3A_33 = arith.cmpi eq, %arg1, %eq3A : i32
    %convert_element_type3A = arith.extui %eq3A_33 : i1 to i32
    %cond3A = arith.constant 0 : i32
    %cond3A_34 = arith.cmpi ne, %convert_element_type3A, %cond3A : i32
    scf.if %cond3A_34 {
      "tpu.region"() ({
        %run_scoped3A = tpu.sem_alloc : memref<!tpu.dma_semaphore, #tpu.memory_space<semaphore_mem>>
        %dma_start3A_84 = arith.constant 0 : i32
        %dma_start3A_85 = arith.constant 0 : i32
        %dma_start3A_86 = tpu.memref_slice %arg8[%dma_start3A_84, %dma_start3A_85] : memref<104x64xf32, #tpu.memory_space<vmem>> -> memref<16x64xf32, #tpu.memory_space<vmem>>
        %dma_start3A_87 = arith.constant 9984 : i32
        %dma_start3A_88 = arith.constant 0 : i32
        %dma_start3A_89 = tpu.memref_slice %arg9[%dma_start3A_87, %dma_start3A_88] : memref<10000x64xf32, #tpu.memory_space<vmem_shared>> -> memref<16x64xf32, #tpu.memory_space<vmem_shared>>
        %dma_start3A_90 = arith.constant 9984 : i32
        %dma_start3A_91 = arith.constant 0 : i32
        %dma_start3A_92 = tpu.memref_slice %arg9[%dma_start3A_90, %dma_start3A_91] : memref<10000x64xf32, #tpu.memory_space<vmem_shared>> -> memref<16x64xf32, #tpu.memory_space<vmem_shared>>
        %dma_start3A_93 = arith.constant 0 : i32
        %dma_start3A_94 = arith.constant 0 : i32
        %dma_start3A_95 = tpu.memref_slice %arg8[%dma_start3A_93, %dma_start3A_94] : memref<104x64xf32, #tpu.memory_space<vmem>> -> memref<16x64xf32, #tpu.memory_space<vmem>>
        tpu.enqueue_dma source(%dma_start3A_95 : memref<16x64xf32, #tpu.memory_space<vmem>>) target(%dma_start3A_92 : memref<16x64xf32, #tpu.memory_space<vmem_shared>>) target_semaphore(%run_scoped3A : memref<!tpu.dma_semaphore, #tpu.memory_space<semaphore_mem>>)
        %dma_wait3A_96 = arith.constant 0 : i32
        %dma_wait3A_97 = arith.constant 0 : i32
        %dma_wait3A_98 = tpu.memref_slice %arg8[%dma_wait3A_96, %dma_wait3A_97] : memref<104x64xf32, #tpu.memory_space<vmem>> -> memref<16x64xf32, #tpu.memory_space<vmem>>
        %dma_wait3A_99 = arith.constant 9984 : i32
        %dma_wait3A_100 = arith.constant 0 : i32
        %dma_wait3A_101 = tpu.memref_slice %arg9[%dma_wait3A_99, %dma_wait3A_100] : memref<10000x64xf32, #tpu.memory_space<vmem_shared>> -> memref<16x64xf32, #tpu.memory_space<vmem_shared>>
        %dma_wait3A_102 = arith.constant 9984 : i32
        %dma_wait3A_103 = arith.constant 0 : i32
        %dma_wait3A_104 = tpu.memref_slice %arg9[%dma_wait3A_102, %dma_wait3A_103] : memref<10000x64xf32, #tpu.memory_space<vmem_shared>> -> memref<16x64xf32, #tpu.memory_space<vmem_shared>>
        %dma_wait3A_105 = arith.constant 0 : i32
        %dma_wait3A_106 = arith.constant 0 : i32
        %dma_wait3A_107 = tpu.memref_slice %arg8[%dma_wait3A_105, %dma_wait3A_106] : memref<104x64xf32, #tpu.memory_space<vmem>> -> memref<16x64xf32, #tpu.memory_space<vmem>>
        tpu.wait_dma2 semaphore(%run_scoped3A : memref<!tpu.dma_semaphore, #tpu.memory_space<semaphore_mem>>) src(%dma_wait3A_107 : memref<16x64xf32, #tpu.memory_space<vmem>>) dst(%dma_wait3A_104 : memref<16x64xf32, #tpu.memory_space<vmem_shared>>)
        tpu.yield
      }) : () -> ()
    } else {
    }
    %barrier3A = arith.constant 0 : index
    tpu.barrier barrier_id(%barrier3A)
    %dma_start3A = arith.constant 0 : i32
    %dma_start3A_35 = arith.constant 0 : i32
    %dma_start3A_36 = tpu.memref_slice %arg6[%dma_start3A, %dma_start3A_35] : memref<250x80xi32, #tpu.memory_space<vmem>> -> memref<1x80xi32, #tpu.memory_space<vmem>>
    %dma_start3A_37 = tpu.memref_squeeze %dma_start3A_36 : memref<1x80xi32, #tpu.memory_space<vmem>> -> memref<80xi32, #tpu.memory_space<vmem>>
    %dma_start3A_38 = arith.constant 0 : i32
    %dma_start3A_39 = arith.constant 0 : i32
    %dma_start3A_40 = tpu.memref_slice %arg2[%dma_start3A_38, %dma_start3A_39] : memref<20000x64xf32, #tpu.memory_space<hbm>> -> memref<20000x64xf32, #tpu.memory_space<hbm>>
    tpu.enqueue_indirect_dma source(%dma_start3A_40 : memref<20000x64xf32, #tpu.memory_space<hbm>>) target(%arg10 : memref<80x64xf32, #tpu.memory_space<vmem>>) offsets(%dma_start3A_37 : memref<80xi32, #tpu.memory_space<vmem>>) semaphore(%arg15 : memref<!tpu.dma_semaphore, #tpu.memory_space<semaphore_mem>>)
    %dma_start3A_41 = arith.constant 1 : i32
    %dma_start3A_42 = arith.constant 0 : i32
    %dma_start3A_43 = tpu.memref_slice %arg6[%dma_start3A_41, %dma_start3A_42] : memref<250x80xi32, #tpu.memory_space<vmem>> -> memref<1x80xi32, #tpu.memory_space<vmem>>
    %dma_start3A_44 = tpu.memref_squeeze %dma_start3A_43 : memref<1x80xi32, #tpu.memory_space<vmem>> -> memref<80xi32, #tpu.memory_space<vmem>>
    %dma_start3A_45 = arith.constant 0 : i32
    %dma_start3A_46 = arith.constant 0 : i32
    %dma_start3A_47 = tpu.memref_slice %arg2[%dma_start3A_45, %dma_start3A_46] : memref<20000x64xf32, #tpu.memory_space<hbm>> -> memref<20000x64xf32, #tpu.memory_space<hbm>>
    tpu.enqueue_indirect_dma source(%dma_start3A_47 : memref<20000x64xf32, #tpu.memory_space<hbm>>) target(%arg11 : memref<80x64xf32, #tpu.memory_space<vmem>>) offsets(%dma_start3A_44 : memref<80xi32, #tpu.memory_space<vmem>>) semaphore(%arg16 : memref<!tpu.dma_semaphore, #tpu.memory_space<semaphore_mem>>)
    %dma_start3A_48 = arith.constant 2 : i32
    %dma_start3A_49 = arith.constant 0 : i32
    %dma_start3A_50 = tpu.memref_slice %arg6[%dma_start3A_48, %dma_start3A_49] : memref<250x80xi32, #tpu.memory_space<vmem>> -> memref<1x80xi32, #tpu.memory_space<vmem>>
    %dma_start3A_51 = tpu.memref_squeeze %dma_start3A_50 : memref<1x80xi32, #tpu.memory_space<vmem>> -> memref<80xi32, #tpu.memory_space<vmem>>
    %dma_start3A_52 = arith.constant 0 : i32
    %dma_start3A_53 = arith.constant 0 : i32
    %dma_start3A_54 = tpu.memref_slice %arg2[%dma_start3A_52, %dma_start3A_53] : memref<20000x64xf32, #tpu.memory_space<hbm>> -> memref<20000x64xf32, #tpu.memory_space<hbm>>
    tpu.enqueue_indirect_dma source(%dma_start3A_54 : memref<20000x64xf32, #tpu.memory_space<hbm>>) target(%arg12 : memref<80x64xf32, #tpu.memory_space<vmem>>) offsets(%dma_start3A_51 : memref<80xi32, #tpu.memory_space<vmem>>) semaphore(%arg17 : memref<!tpu.dma_semaphore, #tpu.memory_space<semaphore_mem>>)
    %scan3A_55 = arith.constant 0 : i32
    %scan3A_56 = arith.constant 0 : i32
    %scan3A_57 = arith.constant 50 : i32
    %scan3A_58 = arith.addi %scan3A_56, %scan3A_57 : i32
    %scan3A_59 = arith.constant 1 : i32
    scf.for %scan3A_84 = %scan3A_56 to %scan3A_58 step %scan3A_59  : i32 {
      %mul3A_85 = arith.constant 5 : i32
      %mul3A_86 = arith.muli %scan3A_84, %mul3A_85 : i32
      %add3A_87 = arith.constant 0 : i32
      %add3A_88 = arith.addi %mul3A_86, %add3A_87 : i32
      %gt3A = arith.constant 0 : i32
      %gt3A_89 = arith.cmpi sgt, %scan3A_84, %gt3A : i32
      %convert_element_type3A_90 = arith.extui %gt3A_89 : i1 to i32
      %cond3A_91 = arith.constant 0 : i32
      %cond3A_92 = arith.cmpi ne, %convert_element_type3A_90, %cond3A_91 : i32
      scf.if %cond3A_92 {
        %dma_wait3A_230 = arith.constant 0 : i32
        %dma_wait3A_231 = arith.constant 0 : i32
        %dma_wait3A_232 = tpu.memref_slice %arg7[%dma_wait3A_230, %dma_wait3A_231] : memref<250x80xi32, #tpu.memory_space<vmem>> -> memref<1x80xi32, #tpu.memory_space<vmem>>
        %dma_wait3A_233 = tpu.memref_squeeze %dma_wait3A_232 : memref<1x80xi32, #tpu.memory_space<vmem>> -> memref<80xi32, #tpu.memory_space<vmem>>
        %dma_wait3A_234 = arith.constant 0 : i32
        %dma_wait3A_235 = arith.constant 0 : i32
        %dma_wait3A_236 = tpu.memref_slice %arg9[%dma_wait3A_234, %dma_wait3A_235] : memref<10000x64xf32, #tpu.memory_space<vmem_shared>> -> memref<10000x64xf32, #tpu.memory_space<vmem_shared>>
        tpu.wait_indirect_dma semaphore(%arg23 : memref<!tpu.dma_semaphore, #tpu.memory_space<semaphore_mem>>) src(%arg13 : memref<80x64xf32, #tpu.memory_space<vmem>>) dst(%dma_wait3A_236 : memref<10000x64xf32, #tpu.memory_space<vmem_shared>>)
      } else {
      }
      %add3A_93 = arith.constant 3 : i32
      %add3A_94 = arith.addi %add3A_88, %add3A_93 : i32
      %lt3A_95 = arith.constant 250 : i32
      %lt3A_96 = arith.cmpi slt, %add3A_94, %lt3A_95 : i32
      %convert_element_type3A_97 = arith.extui %lt3A_96 : i1 to i32
      %cond3A_98 = arith.constant 0 : i32
      %cond3A_99 = arith.cmpi ne, %convert_element_type3A_97, %cond3A_98 : i32
      scf.if %cond3A_99 {
        %add3A_230 = arith.constant 3 : i32
        %add3A_231 = arith.addi %add3A_88, %add3A_230 : i32
        %dma_start3A_232 = arith.constant 0 : i32
        %dma_start3A_233 = tpu.memref_slice %arg6[%add3A_231, %dma_start3A_232] : memref<250x80xi32, #tpu.memory_space<vmem>> -> memref<1x80xi32, #tpu.memory_space<vmem>>
        %dma_start3A_234 = tpu.memref_squeeze %dma_start3A_233 : memref<1x80xi32, #tpu.memory_space<vmem>> -> memref<80xi32, #tpu.memory_space<vmem>>
        %dma_start3A_235 = arith.constant 0 : i32
        %dma_start3A_236 = arith.constant 0 : i32
        %dma_start3A_237 = tpu.memref_slice %arg2[%dma_start3A_235, %dma_start3A_236] : memref<20000x64xf32, #tpu.memory_space<hbm>> -> memref<20000x64xf32, #tpu.memory_space<hbm>>
        tpu.enqueue_indirect_dma source(%dma_start3A_237 : memref<20000x64xf32, #tpu.memory_space<hbm>>) target(%arg13 : memref<80x64xf32, #tpu.memory_space<vmem>>) offsets(%dma_start3A_234 : memref<80xi32, #tpu.memory_space<vmem>>) semaphore(%arg18 : memref<!tpu.dma_semaphore, #tpu.memory_space<semaphore_mem>>)
      } else {
      }
      %dma_wait3A_100 = arith.constant 0 : i32
      %dma_wait3A_101 = tpu.memref_slice %arg6[%add3A_88, %dma_wait3A_100] : memref<250x80xi32, #tpu.memory_space<vmem>> -> memref<1x80xi32, #tpu.memory_space<vmem>>
      %dma_wait3A_102 = tpu.memref_squeeze %dma_wait3A_101 : memref<1x80xi32, #tpu.memory_space<vmem>> -> memref<80xi32, #tpu.memory_space<vmem>>
      %dma_wait3A_103 = arith.constant 0 : i32
      %dma_wait3A_104 = arith.constant 0 : i32
      %dma_wait3A_105 = tpu.memref_slice %arg2[%dma_wait3A_103, %dma_wait3A_104] : memref<20000x64xf32, #tpu.memory_space<hbm>> -> memref<20000x64xf32, #tpu.memory_space<hbm>>
      tpu.wait_indirect_dma semaphore(%arg15 : memref<!tpu.dma_semaphore, #tpu.memory_space<semaphore_mem>>) src(%dma_wait3A_105 : memref<20000x64xf32, #tpu.memory_space<hbm>>) dst(%arg10 : memref<80x64xf32, #tpu.memory_space<vmem>>)
      %dma_start3A_106 = arith.constant 0 : i32
      %dma_start3A_107 = tpu.memref_slice %arg7[%add3A_88, %dma_start3A_106] : memref<250x80xi32, #tpu.memory_space<vmem>> -> memref<1x80xi32, #tpu.memory_space<vmem>>
      %dma_start3A_108 = tpu.memref_squeeze %dma_start3A_107 : memref<1x80xi32, #tpu.memory_space<vmem>> -> memref<80xi32, #tpu.memory_space<vmem>>
      %dma_start3A_109 = arith.constant 0 : i32
      %dma_start3A_110 = arith.constant 0 : i32
      %dma_start3A_111 = tpu.memref_slice %arg9[%dma_start3A_109, %dma_start3A_110] : memref<10000x64xf32, #tpu.memory_space<vmem_shared>> -> memref<10000x64xf32, #tpu.memory_space<vmem_shared>>
      tpu.enqueue_indirect_dma source(%arg10 : memref<80x64xf32, #tpu.memory_space<vmem>>) target(%dma_start3A_111 : memref<10000x64xf32, #tpu.memory_space<vmem_shared>>) offsets(%dma_start3A_108 : memref<80xi32, #tpu.memory_space<vmem>>) semaphore(%arg20 : memref<!tpu.dma_semaphore, #tpu.memory_space<semaphore_mem>>) {add = true}
      %mul3A_112 = arith.constant 5 : i32
      %mul3A_113 = arith.muli %scan3A_84, %mul3A_112 : i32
      %add3A_114 = arith.constant 1 : i32
      %add3A_115 = arith.addi %mul3A_113, %add3A_114 : i32
      %gt3A_116 = arith.constant 0 : i32
      %gt3A_117 = arith.cmpi sgt, %scan3A_84, %gt3A_116 : i32
      %convert_element_type3A_118 = arith.extui %gt3A_117 : i1 to i32
      %cond3A_119 = arith.constant 0 : i32
      %cond3A_120 = arith.cmpi ne, %convert_element_type3A_118, %cond3A_119 : i32
      scf.if %cond3A_120 {
        %dma_wait3A_230 = arith.constant 0 : i32
        %dma_wait3A_231 = arith.constant 0 : i32
        %dma_wait3A_232 = tpu.memref_slice %arg7[%dma_wait3A_230, %dma_wait3A_231] : memref<250x80xi32, #tpu.memory_space<vmem>> -> memref<1x80xi32, #tpu.memory_space<vmem>>
        %dma_wait3A_233 = tpu.memref_squeeze %dma_wait3A_232 : memref<1x80xi32, #tpu.memory_space<vmem>> -> memref<80xi32, #tpu.memory_space<vmem>>
        %dma_wait3A_234 = arith.constant 0 : i32
        %dma_wait3A_235 = arith.constant 0 : i32
        %dma_wait3A_236 = tpu.memref_slice %arg9[%dma_wait3A_234, %dma_wait3A_235] : memref<10000x64xf32, #tpu.memory_space<vmem_shared>> -> memref<10000x64xf32, #tpu.memory_space<vmem_shared>>
        tpu.wait_indirect_dma semaphore(%arg24 : memref<!tpu.dma_semaphore, #tpu.memory_space<semaphore_mem>>) src(%arg14 : memref<80x64xf32, #tpu.memory_space<vmem>>) dst(%dma_wait3A_236 : memref<10000x64xf32, #tpu.memory_space<vmem_shared>>)
      } else {
      }
      %add3A_121 = arith.constant 3 : i32
      %add3A_122 = arith.addi %add3A_115, %add3A_121 : i32
      %lt3A_123 = arith.constant 250 : i32
      %lt3A_124 = arith.cmpi slt, %add3A_122, %lt3A_123 : i32
      %convert_element_type3A_125 = arith.extui %lt3A_124 : i1 to i32
      %cond3A_126 = arith.constant 0 : i32
      %cond3A_127 = arith.cmpi ne, %convert_element_type3A_125, %cond3A_126 : i32
      scf.if %cond3A_127 {
        %add3A_230 = arith.constant 3 : i32
        %add3A_231 = arith.addi %add3A_115, %add3A_230 : i32
        %dma_start3A_232 = arith.constant 0 : i32
        %dma_start3A_233 = tpu.memref_slice %arg6[%add3A_231, %dma_start3A_232] : memref<250x80xi32, #tpu.memory_space<vmem>> -> memref<1x80xi32, #tpu.memory_space<vmem>>
        %dma_start3A_234 = tpu.memref_squeeze %dma_start3A_233 : memref<1x80xi32, #tpu.memory_space<vmem>> -> memref<80xi32, #tpu.memory_space<vmem>>
        %dma_start3A_235 = arith.constant 0 : i32
        %dma_start3A_236 = arith.constant 0 : i32
        %dma_start3A_237 = tpu.memref_slice %arg2[%dma_start3A_235, %dma_start3A_236] : memref<20000x64xf32, #tpu.memory_space<hbm>> -> memref<20000x64xf32, #tpu.memory_space<hbm>>
        tpu.enqueue_indirect_dma source(%dma_start3A_237 : memref<20000x64xf32, #tpu.memory_space<hbm>>) target(%arg14 : memref<80x64xf32, #tpu.memory_space<vmem>>) offsets(%dma_start3A_234 : memref<80xi32, #tpu.memory_space<vmem>>) semaphore(%arg19 : memref<!tpu.dma_semaphore, #tpu.memory_space<semaphore_mem>>)
      } else {
      }
      %dma_wait3A_128 = arith.constant 0 : i32
      %dma_wait3A_129 = tpu.memref_slice %arg6[%add3A_115, %dma_wait3A_128] : memref<250x80xi32, #tpu.memory_space<vmem>> -> memref<1x80xi32, #tpu.memory_space<vmem>>
      %dma_wait3A_130 = tpu.memref_squeeze %dma_wait3A_129 : memref<1x80xi32, #tpu.memory_space<vmem>> -> memref<80xi32, #tpu.memory_space<vmem>>
      %dma_wait3A_131 = arith.constant 0 : i32
      %dma_wait3A_132 = arith.constant 0 : i32
      %dma_wait3A_133 = tpu.memref_slice %arg2[%dma_wait3A_131, %dma_wait3A_132] : memref<20000x64xf32, #tpu.memory_space<hbm>> -> memref<20000x64xf32, #tpu.memory_space<hbm>>
      tpu.wait_indirect_dma semaphore(%arg16 : memref<!tpu.dma_semaphore, #tpu.memory_space<semaphore_mem>>) src(%dma_wait3A_133 : memref<20000x64xf32, #tpu.memory_space<hbm>>) dst(%arg11 : memref<80x64xf32, #tpu.memory_space<vmem>>)
      %dma_start3A_134 = arith.constant 0 : i32
      %dma_start3A_135 = tpu.memref_slice %arg7[%add3A_115, %dma_start3A_134] : memref<250x80xi32, #tpu.memory_space<vmem>> -> memref<1x80xi32, #tpu.memory_space<vmem>>
      %dma_start3A_136 = tpu.memref_squeeze %dma_start3A_135 : memref<1x80xi32, #tpu.memory_space<vmem>> -> memref<80xi32, #tpu.memory_space<vmem>>
      %dma_start3A_137 = arith.constant 0 : i32
      %dma_start3A_138 = arith.constant 0 : i32
      %dma_start3A_139 = tpu.memref_slice %arg9[%dma_start3A_137, %dma_start3A_138] : memref<10000x64xf32, #tpu.memory_space<vmem_shared>> -> memref<10000x64xf32, #tpu.memory_space<vmem_shared>>
      tpu.enqueue_indirect_dma source(%arg11 : memref<80x64xf32, #tpu.memory_space<vmem>>) target(%dma_start3A_139 : memref<10000x64xf32, #tpu.memory_space<vmem_shared>>) offsets(%dma_start3A_136 : memref<80xi32, #tpu.memory_space<vmem>>) semaphore(%arg21 : memref<!tpu.dma_semaphore, #tpu.memory_space<semaphore_mem>>) {add = true}
      %mul3A_140 = arith.constant 5 : i32
      %mul3A_141 = arith.muli %scan3A_84, %mul3A_140 : i32
      %add3A_142 = arith.constant 2 : i32
      %add3A_143 = arith.addi %mul3A_141, %add3A_142 : i32
      %dma_wait3A_144 = arith.constant 0 : i32
      %dma_wait3A_145 = arith.constant 0 : i32
      %dma_wait3A_146 = tpu.memref_slice %arg7[%dma_wait3A_144, %dma_wait3A_145] : memref<250x80xi32, #tpu.memory_space<vmem>> -> memref<1x80xi32, #tpu.memory_space<vmem>>
      %dma_wait3A_147 = tpu.memref_squeeze %dma_wait3A_146 : memref<1x80xi32, #tpu.memory_space<vmem>> -> memref<80xi32, #tpu.memory_space<vmem>>
      %dma_wait3A_148 = arith.constant 0 : i32
      %dma_wait3A_149 = arith.constant 0 : i32
      %dma_wait3A_150 = tpu.memref_slice %arg9[%dma_wait3A_148, %dma_wait3A_149] : memref<10000x64xf32, #tpu.memory_space<vmem_shared>> -> memref<10000x64xf32, #tpu.memory_space<vmem_shared>>
      tpu.wait_indirect_dma semaphore(%arg20 : memref<!tpu.dma_semaphore, #tpu.memory_space<semaphore_mem>>) src(%arg10 : memref<80x64xf32, #tpu.memory_space<vmem>>) dst(%dma_wait3A_150 : memref<10000x64xf32, #tpu.memory_space<vmem_shared>>)
      %add3A_151 = arith.constant 3 : i32
      %add3A_152 = arith.addi %add3A_143, %add3A_151 : i32
      %lt3A_153 = arith.constant 250 : i32
      %lt3A_154 = arith.cmpi slt, %add3A_152, %lt3A_153 : i32
      %convert_element_type3A_155 = arith.extui %lt3A_154 : i1 to i32
      %cond3A_156 = arith.constant 0 : i32
      %cond3A_157 = arith.cmpi ne, %convert_element_type3A_155, %cond3A_156 : i32
      scf.if %cond3A_157 {
        %add3A_230 = arith.constant 3 : i32
        %add3A_231 = arith.addi %add3A_143, %add3A_230 : i32
        %dma_start3A_232 = arith.constant 0 : i32
        %dma_start3A_233 = tpu.memref_slice %arg6[%add3A_231, %dma_start3A_232] : memref<250x80xi32, #tpu.memory_space<vmem>> -> memref<1x80xi32, #tpu.memory_space<vmem>>
        %dma_start3A_234 = tpu.memref_squeeze %dma_start3A_233 : memref<1x80xi32, #tpu.memory_space<vmem>> -> memref<80xi32, #tpu.memory_space<vmem>>
        %dma_start3A_235 = arith.constant 0 : i32
        %dma_start3A_236 = arith.constant 0 : i32
        %dma_start3A_237 = tpu.memref_slice %arg2[%dma_start3A_235, %dma_start3A_236] : memref<20000x64xf32, #tpu.memory_space<hbm>> -> memref<20000x64xf32, #tpu.memory_space<hbm>>
        tpu.enqueue_indirect_dma source(%dma_start3A_237 : memref<20000x64xf32, #tpu.memory_space<hbm>>) target(%arg10 : memref<80x64xf32, #tpu.memory_space<vmem>>) offsets(%dma_start3A_234 : memref<80xi32, #tpu.memory_space<vmem>>) semaphore(%arg15 : memref<!tpu.dma_semaphore, #tpu.memory_space<semaphore_mem>>)
      } else {
      }
      %dma_wait3A_158 = arith.constant 0 : i32
      %dma_wait3A_159 = tpu.memref_slice %arg6[%add3A_143, %dma_wait3A_158] : memref<250x80xi32, #tpu.memory_space<vmem>> -> memref<1x80xi32, #tpu.memory_space<vmem>>
      %dma_wait3A_160 = tpu.memref_squeeze %dma_wait3A_159 : memref<1x80xi32, #tpu.memory_space<vmem>> -> memref<80xi32, #tpu.memory_space<vmem>>
      %dma_wait3A_161 = arith.constant 0 : i32
      %dma_wait3A_162 = arith.constant 0 : i32
      %dma_wait3A_163 = tpu.memref_slice %arg2[%dma_wait3A_161, %dma_wait3A_162] : memref<20000x64xf32, #tpu.memory_space<hbm>> -> memref<20000x64xf32, #tpu.memory_space<hbm>>
      tpu.wait_indirect_dma semaphore(%arg17 : memref<!tpu.dma_semaphore, #tpu.memory_space<semaphore_mem>>) src(%dma_wait3A_163 : memref<20000x64xf32, #tpu.memory_space<hbm>>) dst(%arg12 : memref<80x64xf32, #tpu.memory_space<vmem>>)
      %dma_start3A_164 = arith.constant 0 : i32
      %dma_start3A_165 = tpu.memref_slice %arg7[%add3A_143, %dma_start3A_164] : memref<250x80xi32, #tpu.memory_space<vmem>> -> memref<1x80xi32, #tpu.memory_space<vmem>>
      %dma_start3A_166 = tpu.memref_squeeze %dma_start3A_165 : memref<1x80xi32, #tpu.memory_space<vmem>> -> memref<80xi32, #tpu.memory_space<vmem>>
      %dma_start3A_167 = arith.constant 0 : i32
      %dma_start3A_168 = arith.constant 0 : i32
      %dma_start3A_169 = tpu.memref_slice %arg9[%dma_start3A_167, %dma_start3A_168] : memref<10000x64xf32, #tpu.memory_space<vmem_shared>> -> memref<10000x64xf32, #tpu.memory_space<vmem_shared>>
      tpu.enqueue_indirect_dma source(%arg12 : memref<80x64xf32, #tpu.memory_space<vmem>>) target(%dma_start3A_169 : memref<10000x64xf32, #tpu.memory_space<vmem_shared>>) offsets(%dma_start3A_166 : memref<80xi32, #tpu.memory_space<vmem>>) semaphore(%arg22 : memref<!tpu.dma_semaphore, #tpu.memory_space<semaphore_mem>>) {add = true}
      %mul3A_170 = arith.constant 5 : i32
      %mul3A_171 = arith.muli %scan3A_84, %mul3A_170 : i32
      %add3A_172 = arith.constant 3 : i32
      %add3A_173 = arith.addi %mul3A_171, %add3A_172 : i32
      %dma_wait3A_174 = arith.constant 0 : i32
      %dma_wait3A_175 = arith.constant 0 : i32
      %dma_wait3A_176 = tpu.memref_slice %arg7[%dma_wait3A_174, %dma_wait3A_175] : memref<250x80xi32, #tpu.memory_space<vmem>> -> memref<1x80xi32, #tpu.memory_space<vmem>>
      %dma_wait3A_177 = tpu.memref_squeeze %dma_wait3A_176 : memref<1x80xi32, #tpu.memory_space<vmem>> -> memref<80xi32, #tpu.memory_space<vmem>>
      %dma_wait3A_178 = arith.constant 0 : i32
      %dma_wait3A_179 = arith.constant 0 : i32
      %dma_wait3A_180 = tpu.memref_slice %arg9[%dma_wait3A_178, %dma_wait3A_179] : memref<10000x64xf32, #tpu.memory_space<vmem_shared>> -> memref<10000x64xf32, #tpu.memory_space<vmem_shared>>
      tpu.wait_indirect_dma semaphore(%arg21 : memref<!tpu.dma_semaphore, #tpu.memory_space<semaphore_mem>>) src(%arg11 : memref<80x64xf32, #tpu.memory_space<vmem>>) dst(%dma_wait3A_180 : memref<10000x64xf32, #tpu.memory_space<vmem_shared>>)
      %add3A_181 = arith.constant 3 : i32
      %add3A_182 = arith.addi %add3A_173, %add3A_181 : i32
      %lt3A_183 = arith.constant 250 : i32
      %lt3A_184 = arith.cmpi slt, %add3A_182, %lt3A_183 : i32
      %convert_element_type3A_185 = arith.extui %lt3A_184 : i1 to i32
      %cond3A_186 = arith.constant 0 : i32
      %cond3A_187 = arith.cmpi ne, %convert_element_type3A_185, %cond3A_186 : i32
      scf.if %cond3A_187 {
        %add3A_230 = arith.constant 3 : i32
        %add3A_231 = arith.addi %add3A_173, %add3A_230 : i32
        %dma_start3A_232 = arith.constant 0 : i32
        %dma_start3A_233 = tpu.memref_slice %arg6[%add3A_231, %dma_start3A_232] : memref<250x80xi32, #tpu.memory_space<vmem>> -> memref<1x80xi32, #tpu.memory_space<vmem>>
        %dma_start3A_234 = tpu.memref_squeeze %dma_start3A_233 : memref<1x80xi32, #tpu.memory_space<vmem>> -> memref<80xi32, #tpu.memory_space<vmem>>
        %dma_start3A_235 = arith.constant 0 : i32
        %dma_start3A_236 = arith.constant 0 : i32
        %dma_start3A_237 = tpu.memref_slice %arg2[%dma_start3A_235, %dma_start3A_236] : memref<20000x64xf32, #tpu.memory_space<hbm>> -> memref<20000x64xf32, #tpu.memory_space<hbm>>
        tpu.enqueue_indirect_dma source(%dma_start3A_237 : memref<20000x64xf32, #tpu.memory_space<hbm>>) target(%arg11 : memref<80x64xf32, #tpu.memory_space<vmem>>) offsets(%dma_start3A_234 : memref<80xi32, #tpu.memory_space<vmem>>) semaphore(%arg16 : memref<!tpu.dma_semaphore, #tpu.memory_space<semaphore_mem>>)
      } else {
      }
      %dma_wait3A_188 = arith.constant 0 : i32
      %dma_wait3A_189 = tpu.memref_slice %arg6[%add3A_173, %dma_wait3A_188] : memref<250x80xi32, #tpu.memory_space<vmem>> -> memref<1x80xi32, #tpu.memory_space<vmem>>
      %dma_wait3A_190 = tpu.memref_squeeze %dma_wait3A_189 : memref<1x80xi32, #tpu.memory_space<vmem>> -> memref<80xi32, #tpu.memory_space<vmem>>
      %dma_wait3A_191 = arith.constant 0 : i32
      %dma_wait3A_192 = arith.constant 0 : i32
      %dma_wait3A_193 = tpu.memref_slice %arg2[%dma_wait3A_191, %dma_wait3A_192] : memref<20000x64xf32, #tpu.memory_space<hbm>> -> memref<20000x64xf32, #tpu.memory_space<hbm>>
      tpu.wait_indirect_dma semaphore(%arg18 : memref<!tpu.dma_semaphore, #tpu.memory_space<semaphore_mem>>) src(%dma_wait3A_193 : memref<20000x64xf32, #tpu.memory_space<hbm>>) dst(%arg13 : memref<80x64xf32, #tpu.memory_space<vmem>>)
      %dma_start3A_194 = arith.constant 0 : i32
      %dma_start3A_195 = tpu.memref_slice %arg7[%add3A_173, %dma_start3A_194] : memref<250x80xi32, #tpu.memory_space<vmem>> -> memref<1x80xi32, #tpu.memory_space<vmem>>
      %dma_start3A_196 = tpu.memref_squeeze %dma_start3A_195 : memref<1x80xi32, #tpu.memory_space<vmem>> -> memref<80xi32, #tpu.memory_space<vmem>>
      %dma_start3A_197 = arith.constant 0 : i32
      %dma_start3A_198 = arith.constant 0 : i32
      %dma_start3A_199 = tpu.memref_slice %arg9[%dma_start3A_197, %dma_start3A_198] : memref<10000x64xf32, #tpu.memory_space<vmem_shared>> -> memref<10000x64xf32, #tpu.memory_space<vmem_shared>>
      tpu.enqueue_indirect_dma source(%arg13 : memref<80x64xf32, #tpu.memory_space<vmem>>) target(%dma_start3A_199 : memref<10000x64xf32, #tpu.memory_space<vmem_shared>>) offsets(%dma_start3A_196 : memref<80xi32, #tpu.memory_space<vmem>>) semaphore(%arg23 : memref<!tpu.dma_semaphore, #tpu.memory_space<semaphore_mem>>) {add = true}
      %mul3A_200 = arith.constant 5 : i32
      %mul3A_201 = arith.muli %scan3A_84, %mul3A_200 : i32
      %add3A_202 = arith.constant 4 : i32
      %add3A_203 = arith.addi %mul3A_201, %add3A_202 : i32
      %dma_wait3A_204 = arith.constant 0 : i32
      %dma_wait3A_205 = arith.constant 0 : i32
      %dma_wait3A_206 = tpu.memref_slice %arg7[%dma_wait3A_204, %dma_wait3A_205] : memref<250x80xi32, #tpu.memory_space<vmem>> -> memref<1x80xi32, #tpu.memory_space<vmem>>
      %dma_wait3A_207 = tpu.memref_squeeze %dma_wait3A_206 : memref<1x80xi32, #tpu.memory_space<vmem>> -> memref<80xi32, #tpu.memory_space<vmem>>
      %dma_wait3A_208 = arith.constant 0 : i32
      %dma_wait3A_209 = arith.constant 0 : i32
      %dma_wait3A_210 = tpu.memref_slice %arg9[%dma_wait3A_208, %dma_wait3A_209] : memref<10000x64xf32, #tpu.memory_space<vmem_shared>> -> memref<10000x64xf32, #tpu.memory_space<vmem_shared>>
      tpu.wait_indirect_dma semaphore(%arg22 : memref<!tpu.dma_semaphore, #tpu.memory_space<semaphore_mem>>) src(%arg12 : memref<80x64xf32, #tpu.memory_space<vmem>>) dst(%dma_wait3A_210 : memref<10000x64xf32, #tpu.memory_space<vmem_shared>>)
      %add3A_211 = arith.constant 3 : i32
      %add3A_212 = arith.addi %add3A_203, %add3A_211 : i32
      %lt3A_213 = arith.constant 250 : i32
      %lt3A_214 = arith.cmpi slt, %add3A_212, %lt3A_213 : i32
      %convert_element_type3A_215 = arith.extui %lt3A_214 : i1 to i32
      %cond3A_216 = arith.constant 0 : i32
      %cond3A_217 = arith.cmpi ne, %convert_element_type3A_215, %cond3A_216 : i32
      scf.if %cond3A_217 {
        %add3A_230 = arith.constant 3 : i32
        %add3A_231 = arith.addi %add3A_203, %add3A_230 : i32
        %dma_start3A_232 = arith.constant 0 : i32
        %dma_start3A_233 = tpu.memref_slice %arg6[%add3A_231, %dma_start3A_232] : memref<250x80xi32, #tpu.memory_space<vmem>> -> memref<1x80xi32, #tpu.memory_space<vmem>>
        %dma_start3A_234 = tpu.memref_squeeze %dma_start3A_233 : memref<1x80xi32, #tpu.memory_space<vmem>> -> memref<80xi32, #tpu.memory_space<vmem>>
        %dma_start3A_235 = arith.constant 0 : i32
        %dma_start3A_236 = arith.constant 0 : i32
        %dma_start3A_237 = tpu.memref_slice %arg2[%dma_start3A_235, %dma_start3A_236] : memref<20000x64xf32, #tpu.memory_space<hbm>> -> memref<20000x64xf32, #tpu.memory_space<hbm>>
        tpu.enqueue_indirect_dma source(%dma_start3A_237 : memref<20000x64xf32, #tpu.memory_space<hbm>>) target(%arg12 : memref<80x64xf32, #tpu.memory_space<vmem>>) offsets(%dma_start3A_234 : memref<80xi32, #tpu.memory_space<vmem>>) semaphore(%arg17 : memref<!tpu.dma_semaphore, #tpu.memory_space<semaphore_mem>>)
      } else {
      }
      %dma_wait3A_218 = arith.constant 0 : i32
      %dma_wait3A_219 = tpu.memref_slice %arg6[%add3A_203, %dma_wait3A_218] : memref<250x80xi32, #tpu.memory_space<vmem>> -> memref<1x80xi32, #tpu.memory_space<vmem>>
      %dma_wait3A_220 = tpu.memref_squeeze %dma_wait3A_219 : memref<1x80xi32, #tpu.memory_space<vmem>> -> memref<80xi32, #tpu.memory_space<vmem>>
      %dma_wait3A_221 = arith.constant 0 : i32
      %dma_wait3A_222 = arith.constant 0 : i32
      %dma_wait3A_223 = tpu.memref_slice %arg2[%dma_wait3A_221, %dma_wait3A_222] : memref<20000x64xf32, #tpu.memory_space<hbm>> -> memref<20000x64xf32, #tpu.memory_space<hbm>>
      tpu.wait_indirect_dma semaphore(%arg19 : memref<!tpu.dma_semaphore, #tpu.memory_space<semaphore_mem>>) src(%dma_wait3A_223 : memref<20000x64xf32, #tpu.memory_space<hbm>>) dst(%arg14 : memref<80x64xf32, #tpu.memory_space<vmem>>)
      %dma_start3A_224 = arith.constant 0 : i32
      %dma_start3A_225 = tpu.memref_slice %arg7[%add3A_203, %dma_start3A_224] : memref<250x80xi32, #tpu.memory_space<vmem>> -> memref<1x80xi32, #tpu.memory_space<vmem>>
      %dma_start3A_226 = tpu.memref_squeeze %dma_start3A_225 : memref<1x80xi32, #tpu.memory_space<vmem>> -> memref<80xi32, #tpu.memory_space<vmem>>
      %dma_start3A_227 = arith.constant 0 : i32
      %dma_start3A_228 = arith.constant 0 : i32
      %dma_start3A_229 = tpu.memref_slice %arg9[%dma_start3A_227, %dma_start3A_228] : memref<10000x64xf32, #tpu.memory_space<vmem_shared>> -> memref<10000x64xf32, #tpu.memory_space<vmem_shared>>
      tpu.enqueue_indirect_dma source(%arg14 : memref<80x64xf32, #tpu.memory_space<vmem>>) target(%dma_start3A_229 : memref<10000x64xf32, #tpu.memory_space<vmem_shared>>) offsets(%dma_start3A_226 : memref<80xi32, #tpu.memory_space<vmem>>) semaphore(%arg24 : memref<!tpu.dma_semaphore, #tpu.memory_space<semaphore_mem>>) {add = true}
    }
    %scan3A_60 = arith.constant 50 : i32
    %dma_wait3A = arith.constant 0 : i32
    %dma_wait3A_61 = arith.constant 0 : i32
    %dma_wait3A_62 = tpu.memref_slice %arg7[%dma_wait3A, %dma_wait3A_61] : memref<250x80xi32, #tpu.memory_space<vmem>> -> memref<1x80xi32, #tpu.memory_space<vmem>>
    %dma_wait3A_63 = tpu.memref_squeeze %dma_wait3A_62 : memref<1x80xi32, #tpu.memory_space<vmem>> -> memref<80xi32, #tpu.memory_space<vmem>>
    %dma_wait3A_64 = arith.constant 0 : i32
    %dma_wait3A_65 = arith.constant 0 : i32
    %dma_wait3A_66 = tpu.memref_slice %arg9[%dma_wait3A_64, %dma_wait3A_65] : memref<10000x64xf32, #tpu.memory_space<vmem_shared>> -> memref<10000x64xf32, #tpu.memory_space<vmem_shared>>
    tpu.wait_indirect_dma semaphore(%arg23 : memref<!tpu.dma_semaphore, #tpu.memory_space<semaphore_mem>>) src(%arg13 : memref<80x64xf32, #tpu.memory_space<vmem>>) dst(%dma_wait3A_66 : memref<10000x64xf32, #tpu.memory_space<vmem_shared>>)
    %dma_wait3A_67 = arith.constant 0 : i32
    %dma_wait3A_68 = arith.constant 0 : i32
    %dma_wait3A_69 = tpu.memref_slice %arg7[%dma_wait3A_67, %dma_wait3A_68] : memref<250x80xi32, #tpu.memory_space<vmem>> -> memref<1x80xi32, #tpu.memory_space<vmem>>
    %dma_wait3A_70 = tpu.memref_squeeze %dma_wait3A_69 : memref<1x80xi32, #tpu.memory_space<vmem>> -> memref<80xi32, #tpu.memory_space<vmem>>
    %dma_wait3A_71 = arith.constant 0 : i32
    %dma_wait3A_72 = arith.constant 0 : i32
    %dma_wait3A_73 = tpu.memref_slice %arg9[%dma_wait3A_71, %dma_wait3A_72] : memref<10000x64xf32, #tpu.memory_space<vmem_shared>> -> memref<10000x64xf32, #tpu.memory_space<vmem_shared>>
    tpu.wait_indirect_dma semaphore(%arg24 : memref<!tpu.dma_semaphore, #tpu.memory_space<semaphore_mem>>) src(%arg14 : memref<80x64xf32, #tpu.memory_space<vmem>>) dst(%dma_wait3A_73 : memref<10000x64xf32, #tpu.memory_space<vmem_shared>>)
    %barrier3A_74 = arith.constant 0 : index
    tpu.barrier barrier_id(%barrier3A_74)
    %lt3A = arith.constant 15 : i32
    %lt3A_75 = arith.cmpi slt, %arg1, %lt3A : i32
    %convert_element_type3A_76 = arith.extui %lt3A_75 : i1 to i32
    %cond3A_77 = arith.constant 0 : i32
    %cond3A_78 = arith.cmpi ne, %convert_element_type3A_76, %cond3A_77 : i32
    scf.if %cond3A_78 {
      %mul3A_84 = arith.constant 624 : i32
      %mul3A_85 = arith.muli %arg1, %mul3A_84 : i32
      %mul3A_86 = arith.constant 624 : i32
      %mul3A_87 = arith.muli %arg1, %mul3A_86 : i32
      %mul3A_88 = arith.constant 64 : i32
      %mul3A_89 = arith.muli %arg0, %mul3A_88 : i32
      "tpu.region"() ({
        %run_scoped3A = tpu.sem_alloc : memref<!tpu.dma_semaphore, #tpu.memory_space<semaphore_mem>>
        %dma_start3A_90 = tpu.memref_slice %arg5[%mul3A_87, %mul3A_89] : memref<10000x128xf32, #tpu.memory_space<hbm>> -> memref<624x64xf32, #tpu.memory_space<hbm>>
        %dma_start3A_91 = arith.constant 0 : i32
        %dma_start3A_92 = tpu.memref_slice %arg9[%mul3A_85, %dma_start3A_91] : memref<10000x64xf32, #tpu.memory_space<vmem_shared>> -> memref<624x64xf32, #tpu.memory_space<vmem_shared>>
        tpu.enqueue_dma source(%dma_start3A_92 : memref<624x64xf32, #tpu.memory_space<vmem_shared>>) target(%dma_start3A_90 : memref<624x64xf32, #tpu.memory_space<hbm>>) target_semaphore(%run_scoped3A : memref<!tpu.dma_semaphore, #tpu.memory_space<semaphore_mem>>)
        %dma_wait3A_93 = tpu.memref_slice %arg5[%mul3A_87, %mul3A_89] : memref<10000x128xf32, #tpu.memory_space<hbm>> -> memref<624x64xf32, #tpu.memory_space<hbm>>
        %dma_wait3A_94 = arith.constant 0 : i32
        %dma_wait3A_95 = tpu.memref_slice %arg9[%mul3A_85, %dma_wait3A_94] : memref<10000x64xf32, #tpu.memory_space<vmem_shared>> -> memref<624x64xf32, #tpu.memory_space<vmem_shared>>
        tpu.wait_dma2 semaphore(%run_scoped3A : memref<!tpu.dma_semaphore, #tpu.memory_space<semaphore_mem>>) src(%dma_wait3A_95 : memref<624x64xf32, #tpu.memory_space<vmem_shared>>) dst(%dma_wait3A_93 : memref<624x64xf32, #tpu.memory_space<hbm>>)
        tpu.yield
      }) : () -> ()
    } else {
    }
    %eq3A_79 = arith.constant 15 : i32
    %eq3A_80 = arith.cmpi eq, %arg1, %eq3A_79 : i32
    %convert_element_type3A_81 = arith.extui %eq3A_80 : i1 to i32
    %cond3A_82 = arith.constant 0 : i32
    %cond3A_83 = arith.cmpi ne, %convert_element_type3A_81, %cond3A_82 : i32
    scf.if %cond3A_83 {
      %mul3A_84 = arith.constant 64 : i32
      %mul3A_85 = arith.muli %arg0, %mul3A_84 : i32
      "tpu.region"() ({
        %run_scoped3A = tpu.sem_alloc : memref<!tpu.dma_semaphore, #tpu.memory_space<semaphore_mem>>
        %dma_start3A_86 = arith.constant 9360 : i32
        %dma_start3A_87 = tpu.memref_slice %arg5[%dma_start3A_86, %mul3A_85] : memref<10000x128xf32, #tpu.memory_space<hbm>> -> memref<640x64xf32, #tpu.memory_space<hbm>>
        %dma_start3A_88 = arith.constant 9360 : i32
        %dma_start3A_89 = arith.constant 0 : i32
        %dma_start3A_90 = tpu.memref_slice %arg9[%dma_start3A_88, %dma_start3A_89] : memref<10000x64xf32, #tpu.memory_space<vmem_shared>> -> memref<640x64xf32, #tpu.memory_space<vmem_shared>>
        tpu.enqueue_dma source(%dma_start3A_90 : memref<640x64xf32, #tpu.memory_space<vmem_shared>>) target(%dma_start3A_87 : memref<640x64xf32, #tpu.memory_space<hbm>>) target_semaphore(%run_scoped3A : memref<!tpu.dma_semaphore, #tpu.memory_space<semaphore_mem>>)
        %dma_wait3A_91 = arith.constant 9360 : i32
        %dma_wait3A_92 = tpu.memref_slice %arg5[%dma_wait3A_91, %mul3A_85] : memref<10000x128xf32, #tpu.memory_space<hbm>> -> memref<640x64xf32, #tpu.memory_space<hbm>>
        %dma_wait3A_93 = arith.constant 9360 : i32
        %dma_wait3A_94 = arith.constant 0 : i32
        %dma_wait3A_95 = tpu.memref_slice %arg9[%dma_wait3A_93, %dma_wait3A_94] : memref<10000x64xf32, #tpu.memory_space<vmem_shared>> -> memref<640x64xf32, #tpu.memory_space<vmem_shared>>
        tpu.wait_dma2 semaphore(%run_scoped3A : memref<!tpu.dma_semaphore, #tpu.memory_space<semaphore_mem>>) src(%dma_wait3A_95 : memref<640x64xf32, #tpu.memory_space<vmem_shared>>) dst(%dma_wait3A_92 : memref<640x64xf32, #tpu.memory_space<hbm>>)
        tpu.yield
      }) : () -> ()
    } else {
    }
    return
  }
}

module attributes {stable_mosaic.version = 14 : i64} {
  func.func @_mlp_body(%arg0: memref<10000x128xf32, #tpu.memory_space<vmem>>, %arg1: memref<10000x128xf32, #tpu.memory_space<vmem>>, %arg2: memref<128x256xf32, #tpu.memory_space<vmem>>, %arg3: memref<1x256xf32, #tpu.memory_space<vmem>>, %arg4: memref<1x256xf32, #tpu.memory_space<vmem>>, %arg5: memref<1x256xf32, #tpu.memory_space<vmem>>, %arg6: memref<256x128xf32, #tpu.memory_space<vmem>>, %arg7: memref<1x128xf32, #tpu.memory_space<vmem>>, %arg8: memref<1x128xf32, #tpu.memory_space<vmem>>, %arg9: memref<1x128xf32, #tpu.memory_space<vmem>>, %arg10: memref<10000x128xf32, #tpu.memory_space<vmem>>) attributes {dimension_semantics = [], scalar_prefetch = 0 : i64, scratch_operands = 0 : i64, tpu.core_type = #tpu.core_type<tc>} {
    %get3A = arith.constant 0 : index
    %get3A_0 = arith.constant 0 : index
    %get3A_1 = vector.load %arg0[%get3A, %get3A_0] : memref<10000x128xf32, #tpu.memory_space<vmem>>, vector<10000x128xf32>
    %get3A_2 = arith.constant 0 : index
    %get3A_3 = arith.constant 0 : index
    %get3A_4 = vector.load %arg1[%get3A_2, %get3A_3] : memref<10000x128xf32, #tpu.memory_space<vmem>>, vector<10000x128xf32>
    %add3A = arith.addf %get3A_1, %get3A_4 : vector<10000x128xf32>
    %get3A_5 = arith.constant 0 : index
    %get3A_6 = arith.constant 0 : index
    %get3A_7 = vector.load %arg2[%get3A_5, %get3A_6] : memref<128x256xf32, #tpu.memory_space<vmem>>, vector<128x256xf32>
    %dot_general3A = arith.constant dense<0.000000e+00> : vector<10000x256xf32>
    %dot_general3A_8 = tpu.matmul %add3A, %get3A_7, %dot_general3A {dimension_numbers = #tpu.dot_dimension_numbers<[1], [0], [0], [1], [0, 0, 1, 1], [], []>, transpose_lhs_hint = false} : vector<10000x128xf32>, vector<128x256xf32>, vector<10000x256xf32> -> vector<10000x256xf32>
    %get3A_9 = arith.constant 0 : index
    %get3A_10 = arith.constant 0 : index
    %get3A_11 = vector.load %arg3[%get3A_9, %get3A_10] : memref<1x256xf32, #tpu.memory_space<vmem>>, vector<1x256xf32>
    %add3A_12 = vector.broadcast %get3A_11 : vector<1x256xf32> to vector<10000x256xf32>
    %add3A_13 = arith.addf %dot_general3A_8, %add3A_12 : vector<10000x256xf32>
    %get3A_14 = arith.constant 0 : index
    %get3A_15 = arith.constant 0 : index
    %get3A_16 = vector.load %arg4[%get3A_14, %get3A_15] : memref<1x256xf32, #tpu.memory_space<vmem>>, vector<1x256xf32>
    %get3A_17 = arith.constant 0 : index
    %get3A_18 = arith.constant 0 : index
    %get3A_19 = vector.load %arg5[%get3A_17, %get3A_18] : memref<1x256xf32, #tpu.memory_space<vmem>>, vector<1x256xf32>
    %reduce_sum3A = arith.constant dense<0.000000e+00> : vector<256xf32>
    %reduce_sum3A_20 = vector.multi_reduction <add>, %add3A_13, %reduce_sum3A [0] : vector<10000x256xf32> to vector<256xf32>
    %broadcast_in_dim3A = vector.shape_cast %reduce_sum3A_20 : vector<256xf32> to vector<1x256xf32>
    %div3A = arith.constant 1.000000e+04 : f32
    %div3A_21 = vector.broadcast %div3A : f32 to vector<1x256xf32>
    %div3A_22 = arith.divf %broadcast_in_dim3A, %div3A_21 : vector<1x256xf32>
    %mul3A = arith.mulf %add3A_13, %add3A_13 : vector<10000x256xf32>
    %reduce_sum3A_23 = arith.constant dense<0.000000e+00> : vector<256xf32>
    %reduce_sum3A_24 = vector.multi_reduction <add>, %mul3A, %reduce_sum3A_23 [0] : vector<10000x256xf32> to vector<256xf32>
    %broadcast_in_dim3A_25 = vector.shape_cast %reduce_sum3A_24 : vector<256xf32> to vector<1x256xf32>
    %div3A_26 = arith.constant 1.000000e+04 : f32
    %div3A_27 = vector.broadcast %div3A_26 : f32 to vector<1x256xf32>
    %div3A_28 = arith.divf %broadcast_in_dim3A_25, %div3A_27 : vector<1x256xf32>
    %mul3A_29 = arith.mulf %div3A_22, %div3A_22 : vector<1x256xf32>
    %sub3A = arith.subf %div3A_28, %mul3A_29 : vector<1x256xf32>
    %add3A_30 = arith.constant 9.99999974E-6 : f32
    %add3A_31 = vector.broadcast %add3A_30 : f32 to vector<1x256xf32>
    %add3A_32 = arith.addf %sub3A, %add3A_31 : vector<1x256xf32>
    %rsqrt3A = math.rsqrt %add3A_32 : vector<1x256xf32>
    %mul3A_33 = arith.mulf %get3A_16, %rsqrt3A : vector<1x256xf32>
    %mul3A_34 = vector.broadcast %mul3A_33 : vector<1x256xf32> to vector<10000x256xf32>
    %mul3A_35 = arith.mulf %add3A_13, %mul3A_34 : vector<10000x256xf32>
    %mul3A_36 = arith.mulf %div3A_22, %mul3A_33 : vector<1x256xf32>
    %sub3A_37 = arith.subf %get3A_19, %mul3A_36 : vector<1x256xf32>
    %add3A_38 = vector.broadcast %sub3A_37 : vector<1x256xf32> to vector<10000x256xf32>
    %add3A_39 = arith.addf %mul3A_35, %add3A_38 : vector<10000x256xf32>
    %max3A = arith.constant 0.000000e+00 : f32
    %max3A_40 = vector.broadcast %max3A : f32 to vector<10000x256xf32>
    %max3A_41 = arith.maximumf %add3A_39, %max3A_40 : vector<10000x256xf32>
    %get3A_42 = arith.constant 0 : index
    %get3A_43 = arith.constant 0 : index
    %get3A_44 = vector.load %arg6[%get3A_42, %get3A_43] : memref<256x128xf32, #tpu.memory_space<vmem>>, vector<256x128xf32>
    %dot_general3A_45 = arith.constant dense<0.000000e+00> : vector<10000x128xf32>
    %dot_general3A_46 = tpu.matmul %max3A_41, %get3A_44, %dot_general3A_45 {dimension_numbers = #tpu.dot_dimension_numbers<[1], [0], [0], [1], [0, 0, 1, 1], [], []>, transpose_lhs_hint = false} : vector<10000x256xf32>, vector<256x128xf32>, vector<10000x128xf32> -> vector<10000x128xf32>
    %get3A_47 = arith.constant 0 : index
    %get3A_48 = arith.constant 0 : index
    %get3A_49 = vector.load %arg7[%get3A_47, %get3A_48] : memref<1x128xf32, #tpu.memory_space<vmem>>, vector<1x128xf32>
    %add3A_50 = vector.broadcast %get3A_49 : vector<1x128xf32> to vector<10000x128xf32>
    %add3A_51 = arith.addf %dot_general3A_46, %add3A_50 : vector<10000x128xf32>
    %get3A_52 = arith.constant 0 : index
    %get3A_53 = arith.constant 0 : index
    %get3A_54 = vector.load %arg8[%get3A_52, %get3A_53] : memref<1x128xf32, #tpu.memory_space<vmem>>, vector<1x128xf32>
    %get3A_55 = arith.constant 0 : index
    %get3A_56 = arith.constant 0 : index
    %get3A_57 = vector.load %arg9[%get3A_55, %get3A_56] : memref<1x128xf32, #tpu.memory_space<vmem>>, vector<1x128xf32>
    %reduce_sum3A_58 = arith.constant dense<0.000000e+00> : vector<128xf32>
    %reduce_sum3A_59 = vector.multi_reduction <add>, %add3A_51, %reduce_sum3A_58 [0] : vector<10000x128xf32> to vector<128xf32>
    %broadcast_in_dim3A_60 = vector.shape_cast %reduce_sum3A_59 : vector<128xf32> to vector<1x128xf32>
    %div3A_61 = arith.constant 1.000000e+04 : f32
    %div3A_62 = vector.broadcast %div3A_61 : f32 to vector<1x128xf32>
    %div3A_63 = arith.divf %broadcast_in_dim3A_60, %div3A_62 : vector<1x128xf32>
    %mul3A_64 = arith.mulf %add3A_51, %add3A_51 : vector<10000x128xf32>
    %reduce_sum3A_65 = arith.constant dense<0.000000e+00> : vector<128xf32>
    %reduce_sum3A_66 = vector.multi_reduction <add>, %mul3A_64, %reduce_sum3A_65 [0] : vector<10000x128xf32> to vector<128xf32>
    %broadcast_in_dim3A_67 = vector.shape_cast %reduce_sum3A_66 : vector<128xf32> to vector<1x128xf32>
    %div3A_68 = arith.constant 1.000000e+04 : f32
    %div3A_69 = vector.broadcast %div3A_68 : f32 to vector<1x128xf32>
    %div3A_70 = arith.divf %broadcast_in_dim3A_67, %div3A_69 : vector<1x128xf32>
    %mul3A_71 = arith.mulf %div3A_63, %div3A_63 : vector<1x128xf32>
    %sub3A_72 = arith.subf %div3A_70, %mul3A_71 : vector<1x128xf32>
    %add3A_73 = arith.constant 9.99999974E-6 : f32
    %add3A_74 = vector.broadcast %add3A_73 : f32 to vector<1x128xf32>
    %add3A_75 = arith.addf %sub3A_72, %add3A_74 : vector<1x128xf32>
    %rsqrt3A_76 = math.rsqrt %add3A_75 : vector<1x128xf32>
    %mul3A_77 = arith.mulf %get3A_54, %rsqrt3A_76 : vector<1x128xf32>
    %mul3A_78 = vector.broadcast %mul3A_77 : vector<1x128xf32> to vector<10000x128xf32>
    %mul3A_79 = arith.mulf %add3A_51, %mul3A_78 : vector<10000x128xf32>
    %mul3A_80 = arith.mulf %div3A_63, %mul3A_77 : vector<1x128xf32>
    %sub3A_81 = arith.subf %get3A_57, %mul3A_80 : vector<1x128xf32>
    %add3A_82 = vector.broadcast %sub3A_81 : vector<1x128xf32> to vector<10000x128xf32>
    %add3A_83 = arith.addf %mul3A_79, %add3A_82 : vector<10000x128xf32>
    %max3A_84 = arith.constant 0.000000e+00 : f32
    %max3A_85 = vector.broadcast %max3A_84 : f32 to vector<10000x128xf32>
    %max3A_86 = arith.maximumf %add3A_83, %max3A_85 : vector<10000x128xf32>
    %swap3A = arith.constant 0 : index
    %swap3A_87 = arith.constant 0 : index
    %swap3A_88 = vector.load %arg10[%swap3A, %swap3A_87] : memref<10000x128xf32, #tpu.memory_space<vmem>>, vector<10000x128xf32>
    tpu.vector_store %arg10[%swap3A, %swap3A_87], %max3A_86 {strides = array<i32>} : memref<10000x128xf32, #tpu.memory_space<vmem>>, vector<10000x128xf32>,
    return
  }
}

</mosaic_0001>

<sc_bundles>
// kernel: kernel.4.cloned.1.call-start
scs
__scs_entry_jumppad:
0x0: {  	(pc) =	sbr.rel $0x88, $3  }
0x1: {  	(tag) =	ssettag $0x0;
	lr =	simm.s32 $0x1  }
0x2: {  	[smem:$0x3F97] =	sst lr;
	_ =	strace $0xD0000000  }
0x3: {  	_ = 	snop  }
0x4: {  	_ = 	snop  }
0x5: {  	_ = 	snop  }
0x6: {  	_ = 	snop  }
0x7: {  	_ = 	snop  }
__scs_overlays_trampoline_lowered:
0x8: {  	[smem:$0x3FA6] =	sst s0  }
0x9: {  	[smem:$0x3FA7] =	sst s1  }
0xa: {  	[smem:$0x3FA8] =	sst s2  }
0xb: {  	[smem:$0x3FA9] =	sst s3  }
0xc: {  	[smem:$0x3FAA] =	sst s4  }
0xd: {  	[smem:$0x3FAB] =	sst s5  }
0xe: {  	[smem:$0x3FAC] =	sst s6  }
0xf: {  	[smem:$0x3FAD] =	sst s7  }
0x10: {  	[smem:$0x3FAE] =	sst s8  }
0x11: {  	[smem:$0x3FAF] =	sst s9;
	s0 =	simm.s32 @!p0 $0x0  }
0x12: {  	s1 =	sld [smem:$0x3F95];
	s0 =	simm.s32 @p0 $0x1  }
0x13: {  	[smem:$0x3FB0] =	sst s0;
	s0 =	simm.s32 @!p1 $0x0  }
0x14: {  	s2 =	sld [smem:$0x3F94];
	s0 =	simm.s32 @p1 $0x1  }
0x15: {  	[smem:$0x3FB1] =	sst s0;
	s0 =	simm.s32 @!p2 $0x0  }
0x16: {  	s3 =	sld [smem:$0x3FDB];
	s0 =	simm.s32 @p2 $0x1  }
0x17: {  	s4 =	simm.s32 $0x1BF5;
	[smem:$0x3FB3] =	sst s0  }
0x18: {  	s0 =	sld [smem:$0x3F96];
	_ =	swait.ge [sflag:s4], $0x0  }
0x19: {  	s7 =	sld [smem:$0x3F97]  }
0x1a: {  	s8 =	sadd.s32 $0xFFFFE003, lr  }
0x1b: {  	s9 =	sadd.s32 $0xFFFFFEF7, lr;
	s5 =	simm.s32 $0xFFFFFFFF;
	p2 =	slt.u32 s8, $0xFFFFF086  }
0x1c: {  	p1 =	slt.u32 s9, $0xF7A;
	s5 =	simm.s32 @!p2 $0x0  }
0x1d: {  	s5 =	simm.s32 @p1 $0x1;
	p0 =	seq.s32 s7, s2  }
0x1e: {  	s7 =	smul.u32 @!p0 $0xF7A, s2;
	p2 =	seq.s32 @!p0 s5, $0x0  }
0x1f: {  	s9 =	smul.u32 $0xF7A, s1;
	s8 =	simm.s32 @!p0 $0x1BF5;
	p2 =	por !p2, p0  }
0x20: {  	[sflag:s8] =	ssyncset.s32 @!p0 $0xFFFFF086;
	s6 =	sadd.s32 @!p0 s3, s7;
	s7 =	simm.s32 @!p0 $0x108  }
0x21: {  	s3 =	sadd.s32 s3, s9;
	s6 =	sadd.s32 @!p0 $0x88, s6;
	s7 =	simm.s32 @p2 $0x1082  }
0x22: {  	[simem:s7], [sflag:s8] =	dma.local @!p0 [hbm:s6], $0xF7A  }
0x23: {  	s9 =	sor.u32 $0xD0000000, s2;
	s6 =	simm.s32 $0x108;
	_ =	swait.ge @!p0 [sflag:s8], $0x0  }
0x24: {  	s3 =	sadd.s32 $0x88, s3;
	s6 =	simm.s32 @!p1 $0x1082;
	[sflag:s4] =	ssyncset.s32 $0xFFFFF086  }
0x25: {  	[simem:s6], [sflag:s4] =	dma.local [hbm:s3], $0xF7A  }
0x26: {  	[smem:$0x3F97] =	sst s1;
	(tag) =	ssettag s2;
	_ =	strace s9  }
0x27: {  	s1 =	sld [smem:$0x3FA7]  }
0x28: {  	s2 =	sld [smem:$0x3FA8]  }
0x29: {  	s4 =	sld [smem:$0x3FAA]  }
0x2a: {  	p0 =	seq.s32 s5, $0x0;
	s5 =	sld [smem:$0x3FAB]  }
0x2b: {  	s6 =	sld [smem:$0x3FAC]  }
0x2c: {  	s7 =	sld [smem:$0x3FAD]  }
0x2d: {  	s3 =	simm.s32 $0x108;
	s8 =	sld [smem:$0x3FAE]  }
0x2e: {  	s3 =	simm.s32 @!p0 $0x1082;
	s9 =	sld [smem:$0x3FAF]  }
0x2f: {  	lr =	sadd.s32 s0, s3;
	s0 =	sld [smem:$0x3FA6]  }
0x30: {  	s3 =	sld [smem:$0x3FA9]  }
0x31: {  	[smem:$0x3FB2] =	sst s10  }
0x32: {  	s10 =	sld [smem:$0x3FB0];
	_ =	sdelay $0x3  }
0x33: {  	p0 =	seq.s32 s10, $0x1;
	s10 =	sld [smem:$0x3FB2];
	_ =	sdelay $0x3  }
0x34: {  	[smem:$0x3FB2] =	sst s10  }
0x35: {  	s10 =	sld [smem:$0x3FB1];
	_ =	sdelay $0x3  }
0x36: {  	p1 =	seq.s32 s10, $0x1;
	s10 =	sld [smem:$0x3FB2];
	_ =	sdelay $0x3  }
0x37: {  	[smem:$0x3FB2] =	sst s10  }
0x38: {  	s10 =	sld [smem:$0x3FB3]  }
0x39: {  	_ = 	snop;
	(pc) =	sbr.ind lr, $3  }
0x3a: {  	_ = 	snop  }
0x3b: {  	_ = 	snop  }
0x3c: {  	p2 =	seq.s32 s10, $0x1;
	s10 =	sld [smem:$0x3FB2]  }
0x3d: {  	_ =	shalt  }
0x3e: {  	_ =	shalt  }
0x3f: {  	_ =	shalt  }
0x40: {  	_ =	shalt  }
0x41: {  	_ =	shalt  }
0x42: {  	_ =	shalt  }
0x43: {  	_ =	shalt  }
0x44: {  	_ =	shalt  }
0x45: {  	_ =	shalt  }
0x46: {  	_ =	shalt  }
0x47: {  	_ =	shalt  }
0x48: {  	_ =	shalt  }
0x49: {  	_ =	shalt  }
0x4a: {  	_ =	shalt  }
0x4b: {  	_ =	shalt  }
0x4c: {  	_ =	shalt  }
0x4d: {  	_ =	shalt  }
0x4e: {  	_ =	shalt  }
0x4f: {  	_ =	shalt  }
0x50: {  	_ =	shalt  }
0x51: {  	_ =	shalt  }
0x52: {  	_ =	shalt  }
0x53: {  	_ =	shalt  }
0x54: {  	_ =	shalt  }
0x55: {  	_ =	shalt  }
0x56: {  	_ =	shalt  }
0x57: {  	_ =	shalt  }
0x58: {  	_ =	shalt  }
0x59: {  	_ =	shalt  }
0x5a: {  	_ =	shalt  }
0x5b: {  	_ =	shalt  }
0x5c: {  	_ =	shalt  }
0x5d: {  	_ =	shalt  }
0x5e: {  	_ =	shalt  }
0x5f: {  	_ =	shalt  }
0x60: {  	_ =	shalt  }
0x61: {  	_ =	shalt  }
0x62: {  	_ =	shalt  }
0x63: {  	_ =	shalt  }
0x64: {  	_ =	shalt  }
0x65: {  	_ =	shalt  }
0x66: {  	_ =	shalt  }
0x67: {  	_ =	shalt  }
0x68: {  	_ =	shalt  }
0x69: {  	_ =	shalt  }
0x6a: {  	_ =	shalt  }
0x6b: {  	_ =	shalt  }
0x6c: {  	_ =	shalt  }
0x6d: {  	_ =	shalt  }
0x6e: {  	_ =	shalt  }
0x6f: {  	_ =	shalt  }
0x70: {  	_ =	shalt  }
0x71: {  	_ =	shalt  }
0x72: {  	_ =	shalt  }
0x73: {  	_ =	shalt  }
0x74: {  	_ =	shalt  }
0x75: {  	_ =	shalt  }
0x76: {  	_ =	shalt  }
0x77: {  	_ =	shalt  }
0x78: {  	_ =	shalt  }
0x79: {  	_ =	shalt  }
0x7a: {  	_ =	shalt  }
0x7b: {  	_ =	shalt  }
0x7c: {  	_ =	shalt  }
0x7d: {  	_ =	shalt  }
0x7e: {  	_ =	shalt  }
0x7f: {  	_ =	shalt  }
0x80: {  	_ =	shalt  }
0x81: {  	_ =	shalt  }
0x82: {  	_ =	shalt  }
0x83: {  	_ =	shalt  }
0x84: {  	_ =	shalt  }
0x85: {  	_ =	shalt  }
0x86: {  	_ =	shalt  }
0x87: {  	_ =	shalt  }
.Lfunc_end0:
.L_simem_size_0:
called_computation_lowered:
.L_overlay_start_0:
0x88: {  	s2 =	sld [smem:$0x3FD9]  }
0x89: {  	s3 =	sld [smem:$0x3FFE];
	_ =	sdelay $0x1  }
0x8a: {  	s1 =	srdreg.scid  }
0x8b: {  	s0 =	sand.u32 $0x1, s1  }
0x8c: {  	s17 =	sshll.u32 s0, $0xA;
	s2 =	sadd.s32 s3, s2  }
0x8d: {  	s2 =	sadd.s32 s2, s17  }
0x8e: {  	[smem:$0x3FBE] =	sst s2  }
0x8f: {  	_ = 	snop  }
0x90: {  	s2 =	sld [smem:$0x3FC9]  }
0x91: {  	s18 =	sld [smem:$0x3FD0];
	(tm) =	ssettm $0x1  }
0x92: {  	s4 =	sld [smem:$0x3FFB];
	_ =	sdelay $0x3  }
0x93: {  	_ =	strace s4  }
0x94: {  	s4 =	sld [smem:$0x3FFC];
	_ =	sdelay $0x3  }
0x95: {  	_ =	strace s4  }
0x96: {  	s4 =	sld [smem:$0x3FFD];
	_ =	sdelay $0x3  }
0x97: {  	_ =	strace s4  }
0x98: {  	_ =	strace $0x8FFFFFFF  }
0x99: {  	s19 =	sld [smem:$0x3FDB];
	_ =	sdelay $0x1  }
0x9a: {  	s5 =	simm.s32 $_scs_section_size  }
0x9b: {  	s6 =	simm.s32 $_size__tile_overlayer_lowered;
	s7 =	simm.s32 $_tile_overlayer_lowered  }
0x9c: {  	s22 =	simm.s32 $0x1BFF;
	s21 =	sshll.u32 s7, $0x1;
	s4 =	sadd.s32 s5, s19  }
0x9d: {  	s8 =	simm.s32 $0x0;
	s20 =	sshll.u32 s6, $0x1;
	s6 =	sadd.s32 s21, s4  }
0x9e: {  	[timem:s8], [sflag:s22] =	dma.local [hbm:s6], s20  }
0x9f: {  	_ =	swait.ge [sflag:s22], s20  }
0xa0: {  	s5 =	ssub.s32 $0x0, s20;
	[sflag:s22] =	ssyncset.done $0x0  }
0xa1: {  	[sflag:s22] =	ssyncadd.s32 s5;
	_ =	sdelay $0x1  }
0xa2: {  	s23 =	simm.s32 $0x1B8B  }
0xa3: {  	_ =	swait.ge [sflag:s23], $0x1  }
0xa4: {  	[sflag:s23] =	ssyncset.done $0x0  }
0xa5: {  	s25 =	simm.s32 $0x1B8E;
	s24 =	sld [smem:$0x3FFE];
	[sflag:s23] =	ssyncadd.s32 $0xFFFFFFFF  }
0xa6: {  	s26 =	simm.s32 $execute0_lowered;
	[smem:$0x3FD2] =	sst s25  }
0xa7: {  	s6 =	sshll.u32 s26, $0x1;
	_ =	strace $0x80000046;
	[dreg:$0x1] =	wrdreg $0xFFFFFFFF  }
0xa8: {  	s28 =	simm.s32 $_size_execute0_lowered;
	s4 =	sadd.s32 s4, s6;
	[dreg:$0x0] =	wrdreg $0x0  }
0xa9: {  	s6 =	sshll.u32 s28, $0x1;
	[dreg:$0x2] =	wrdreg s4  }
0xaa: {  	[dreg:$0x3] =	wrdreg s6  }
0xab: {  	[dreg:$0x4] =	wrdreg $0xC0  }
0xac: {  	_ =	task [dreg:s8], $0x5FFFF  }
0xad: {  	[dreg:$0x1] =	wrdreg $0xFFFFFFFF  }
0xae: {  	[dreg:$0x0] =	wrdreg $0x60  }
0xaf: {  	[dreg:$0x2] =	wrdreg s2  }
0xb0: {  	[dreg:$0x3] =	wrdreg s24  }
0xb1: {  	[dreg:$0x4] =	wrdreg s18  }
0xb2: {  	[dreg:$0x5] =	wrdreg $0xB6400  }
0xb3: {  	[dreg:$0x6] =	wrdreg $0x9  }
0xb4: {  	_ =	task.clear_ibuf [dreg:s8], $0x7FFFF;
	_ =	strace $0x90000046  }
0xb5: {  	s29 =	simm.s32 $0x9;
	_ =	strace $0x80000048  }
0xb6: {  	_ =	swait.ge [sflag:s29], $0x1  }
0xb7: {  	[sflag:s29] =	ssyncadd.s32 $0xFFFFFFFF  }
0xb8: {  	_ =	strace $0x90000048  }
0xb9: {  	_ =	sfence  }
0xba: {  	s30 =	sld [smem:$0x0];
	_ =	sdelay $0x2  }
0xbb: {  	s31 =	sshll.u32 s1, $0xD;
	s1 =	sshrl.u32 s1, $0x2  }
0xbc: {  	s3 =	sand.u32 $0x4000, s31;
	s1 =	sadd.s32 s1, s30  }
0xbd: {  	s0 =	sor.u32 s3, s0;
	s1 =	sshll.u32 s1, $0x11  }
0xbe: {  	s0 =	sor.u32 s1, s0  }
0xbf: {  	s0 =	sadd.s32 $0x8F2B, s0  }
0xc0: {  	[sflag:s0] =	ssyncadd.remote.s32 $0x1  }
0xc1: {  	_ =	sfence.sel $0xFFFF  }
0xc2: {  	[dreg:$0x0] =	wrdreg $0xFFFFFFFF;
	(pc) =	sbr.abs _section_cstart, $3  }
0xc3: {  	[dreg:$0x1] =	wrdreg $0xFFFFFFFF  }
0xc4: {  	_ =	task.clear_ibuf [dreg:s8], $0x2FFFF;
	_ =	strace $0x9FFFFFFF  }
0xc5: {  	(tm) =	ssettm $0x7FFFFFFF  }
tec
execute0_lowered:
.L_overlay_start_1:
0x0: {  	(tag) =	ssettag $0x1  }
0x1: {  	s1 =	rddreg [dreg:$0x0]  }
0x2: {  	s0 =	rddreg [dreg:$0x1]  }
0x3: {  	s2 =	rddreg [dreg:$0x2]  }
0x4: {  	s3 =	rddreg [dreg:$0x3]  }
0x5: {  	s8 =	stileid.u32;
	s4 =	srdreg.scid;
	s6 =	simm.s32 $0x0  }
0x6: {  	s13 =	simm.s32 $0x4E20;
	s28 =	simm.s32 $0x18E80;
	s29 =	simm.s32 $0x1  }
0x7: {  	s31 =	simm.s32 $0x1A280;
	s30 =	simm.s32 $0x7;
	s5 =	smul.u32 $0x9C4, s8  }
0x8: {  	s9 =	sand.u32 $0x1, s4;
	[smem:$0x7FF] =	sst s6;
	s16 =	smul.u32 $0x27000, s8  }
0x9: {  	s21 =	smul.u32 $0x13800, s8;
	s26 =	sadd.s32 $0x9C000, s3;
	p0 =	sne.s32 s8, $0xF  }
0xa: {  	p1 =	seq.s32 s8, $0xF;
	s6 =	simm.s32 $0x9;
	s8 =	simm.s32 $0xA  }
0xb: {  	s4 =	ssub.s32 $0x2, s9;
	_ =	strace $0x80000047;
	s23 =	sshll.u32 s9, $0x6  }
0xc: {  	s25 =	sshll.u32 s9, $0x3;
	[dreg:$0xc] =	wrdreg s26;
	s26 =	simm.s32 $0x6  }
0xd: {  	v0 =	vmov s9;
	s9 =	simm.s32 $0x0;
	s7 =	sshrl.u32 s4, $0x1;
	s0 =	sadd.s32 s5, s0  }
0xe: {  	s17 =	sshrl.u32 s16, $0x2;
	s4 =	ssub.s32 s4, s7;
	s18 =	sadd.s32 $0xB400, s0  }
0xf: {  	s0 =	sadd.s32 $0x1600, s0;
	s7 =	sadd.s32 s17, s3;
	[dreg:$0x5] =	wrdreg s18  }
0x10: {  	s17 =	simm.s32 $0xB;
	[dreg:$0x6] =	wrdreg s0;
	s19 =	sadd.s32 $0x1A00, s7  }
0x11: {  	s20 =	sadd.s32 $0x3400, s7;
	s5 =	sadd.s32 $0x4E00, s7;
	[dreg:$0x7] =	wrdreg s19  }
0x12: {  	s22 =	sadd.s32 $0x6800, s7;
	s24 =	sadd.s32 $0x8200, s7;
	[dreg:$0x8] =	wrdreg s20  }
0x13: {  	s0 =	sor.u32 s23, s21;
	s16 =	smax.u32 s4, $0x1;
	[dreg:$0x9] =	wrdreg s5  }
0x14: {  	s21 =	simm.s32 $0x15280;
	s23 =	simm.s32 $0x3;
	[dreg:$0xa] =	wrdreg s22  }
0x15: {  	s4 =	simm.s32 $0x8;
	[dreg:$0xb] =	wrdreg s24;
	s0 =	sshrl.u32 s0, $0x3  }
0x16: {  	s5 =	sadd.s32 s25, s2;
	s19 =	simm.s32 $0x9C40;
	s20 =	simm.s32 $0x50  }
0x17: {  	s22 =	simm.s32 $0x16680;
	s25 =	simm.s32 $0x17A80;
	s14 =	sadd.s32 s2, s0  }
0x18: {  	s15 =	sadd.s32 $0x24900, s5;
	s0 =	sadd.s32 $0x92400, s3;
	s2 =	simm.s32 $0x4  }
0x19: {  	v1 =	vimm.f32 $0.0e+00;
	s5 =	simm.s32 $0x5;
	s24 =	sshrl.u32 @p1 s0, $0x3;
	s0 =	simm.s32 $0x2  }
.LBB2_1:
0x1a: {  	s10 =	simm.s32 $0x0;
	s11 =	rddreg [dreg:$0x5]  }
0x1b: {  	[tilespmem:s10], [sflag:$0xB] =	stream.linear.gather [hbm4b:s11+s10], $0x4E20, $0x38;
	[tilespmem:$0x1B680] =	vst v63  }
0x1c: {  	_ =	swait.ge [sflag:s17], $0x4E20  }
0x1d: {  	[sflag:s17] =	ssyncset.done $0x0  }
0x1e: {  	s18 =	rddreg [dreg:$0x6];
	[sflag:s17] =	ssyncadd.s32 $0xFFFFB1E0  }
0x1f: {  	[tilespmem:s13], [sflag:$0xB] =	stream.linear.gather [hbm4b:s18+s10], $0x4E20, $0x38;
	[tilespmem:$0x1B680] =	vst v63  }
0x20: {  	_ =	swait.ge [sflag:s17], $0x4E20  }
0x21: {  	[sflag:s17] =	ssyncset.done $0x0  }
0x22: {  	s10 =	simm.s32 $0x0;
	[sflag:s17] =	ssyncadd.s32 $0xFFFFB1E0  }
0x23: {  	v4 =	vld [tilespmem:s10+$0x0]  }
0x24: {  	v5 =	vld [tilespmem:s10+$0x10]  }
0x25: {  	v3 =	vld [tilespmem:s10+$0x20]  }
0x26: {  	s11 =	simm.s32 $0x140;
	v2 =	vld [tilespmem:s10+$0x30]  }
.LBB2_2:
0x27: {  	p2 =	sne.s32 s11, $0x13740;
	v6 =	vld [tilespmem:s10+$0x40]  }
0x28: {  	v4 =	vshll.u32 v4, $0x1  }
0x29: {  	v4 =	vor.u32 v0, v4;
	v5 =	vshll.u32 v5, $0x1  }
.Ltmp0:
0x2a: {  	s12 =	sshra.s32 s11, $0x2;
	[tilespmem:s10+$0x0] =	vst v4;
	v5 =	vor.u32 v0, v5;
	v3 =	vshll.u32 v3, $0x1;
	(pc) =	sbr.rel @p2 .LBB2_2-.Ltmp0, $4  }
0x2b: {  	v4 =	vld [tilespmem:s12+$0x0];
	[tilespmem:s10+$0x10] =	vst v5;
	v3 =	vor.u32 v0, v3;
	v2 =	vshll.u32 v2, $0x1  }
0x2c: {  	v5 =	vld [tilespmem:s12+$0x10];
	[tilespmem:s10+$0x20] =	vst v3;
	v2 =	vor.u32 v0, v2;
	v6 =	vshll.u32 v6, $0x1  }
0x2d: {  	v3 =	vld [tilespmem:s12+$0x20];
	[tilespmem:s10+$0x30] =	vst v2;
	v6 =	vor.u32 v0, v6  }
0x2e: {  	s11 =	sadd.s32 $0x140, s11;
	v2 =	vld [tilespmem:s12+$0x30];
	[tilespmem:s10+$0x40] =	vst v6;
	s10 =	smov.u32 s12  }
0x2f: {  	v6 =	vld [tilespmem:s10+$0x40]  }
0x30: {  	v4 =	vshll.u32 v4, $0x1  }
0x31: {  	v4 =	vor.u32 v0, v4;
	v5 =	vshll.u32 v5, $0x1  }
0x32: {  	[tilespmem:s10+$0x0] =	vst v4;
	v63 =	vor.u32 v0, v5;
	v3 =	vshll.u32 v3, $0x1  }
0x33: {  	[tilespmem:s10+$0x10] =	vst v63;
	v3 =	vor.u32 v0, v3;
	v2 =	vshll.u32 v2, $0x1  }
0x34: {  	[tilespmem:s10+$0x20] =	vst v3;
	v2 =	vor.u32 v0, v2;
	v3 =	vshll.u32 v6, $0x1  }
0x35: {  	[tilespmem:s10+$0x30] =	vst v2;
	v2 =	vor.u32 v0, v3  }
0x36: {  	s11 =	simm.s32 $0x100;
	[tilespmem:s10+$0x40] =	vst v2;
	s10 =	simm.s32 $0x0  }
.LBB2_4:
0x37: {  	p2 =	sne.s32 s11, $0x6700;
	[tilespmem:s10+$0x9C70] =	vst v1;
	s12 =	smov.u32 s11;
	s11 =	sadd.s32 $0x100, s11  }
.Ltmp1:
0x38: {  	[tilespmem:s10+$0x9C60] =	vst v1;
	(pc) =	sbr.rel @p2 .LBB2_4-.Ltmp1, $3  }
0x39: {  	[tilespmem:s10+$0x9C40] =	vst v1  }
0x3a: {  	[tilespmem:s10+$0x9C50] =	vst v1;
	_ =	sdelay $0x1  }
0x3b: {  	s10 =	sshra.s32 s12, $0x2  }
0x3c: {  	[tilespmem:s10+$0x9C70] =	vst v1  }
0x3d: {  	[tilespmem:s10+$0x9C60] =	vst v1  }
0x3e: {  	[tilespmem:s10+$0x9C40] =	vst v1  }
0x3f: {  	[tilespmem:s10+$0x9C50] =	vst v1  }
0x40: {  	[spmem:s7] =	stream.linear.scatter [tilespmem:s19], [sflag:$0xB], $0x1A00, $0x38;
	[tilespmem:$0x1B680] =	vst v63  }
0x41: {  	_ =	swait.ge [sflag:s17], $0x1A00  }
0x42: {  	[sflag:s17] =	ssyncset.done $0x0  }
0x43: {  	s11 =	rddreg [dreg:$0x7];
	[sflag:s17] =	ssyncadd.s32 $0xFFFFE600  }
0x44: {  	[spmem:s11] =	stream.linear.scatter [tilespmem:s19], [sflag:$0xB], $0x1A00, $0x38;
	[tilespmem:$0x1B680] =	vst v63  }
0x45: {  	_ =	swait.ge [sflag:s17], $0x1A00  }
0x46: {  	[sflag:s17] =	ssyncset.done $0x0  }
0x47: {  	s12 =	rddreg [dreg:$0x8];
	[sflag:s17] =	ssyncadd.s32 $0xFFFFE600  }
0x48: {  	[spmem:s12] =	stream.linear.scatter [tilespmem:s19], [sflag:$0xB], $0x1A00, $0x38;
	[tilespmem:$0x1B680] =	vst v63  }
0x49: {  	_ =	swait.ge [sflag:s17], $0x1A00  }
0x4a: {  	[sflag:s17] =	ssyncset.done $0x0  }
0x4b: {  	s18 =	rddreg [dreg:$0x9];
	[sflag:s17] =	ssyncadd.s32 $0xFFFFE600  }
0x4c: {  	[spmem:s18] =	stream.linear.scatter [tilespmem:s19], [sflag:$0xB], $0x1A00, $0x38;
	[tilespmem:$0x1B680] =	vst v63  }
0x4d: {  	_ =	swait.ge [sflag:s17], $0x1A00  }
0x4e: {  	[sflag:s17] =	ssyncset.done $0x0  }
0x4f: {  	s11 =	rddreg [dreg:$0xa];
	[sflag:s17] =	ssyncadd.s32 $0xFFFFE600  }
0x50: {  	[spmem:s11] =	stream.linear.scatter [tilespmem:s19], [sflag:$0xB], $0x1A00, $0x38;
	[tilespmem:$0x1B680] =	vst v63  }
0x51: {  	_ =	swait.ge [sflag:s17], $0x1A00  }
0x52: {  	[sflag:s17] =	ssyncset.done $0x0  }
0x53: {  	s12 =	rddreg [dreg:$0xb];
	[sflag:s17] =	ssyncadd.s32 $0xFFFFE600  }
0x54: {  	[spmem:s12] =	stream.linear.scatter [tilespmem:s19], [sflag:$0xB], $0x1A00, $0x38;
	[tilespmem:$0x1B680] =	vst v63  }
0x55: {  	_ =	swait.ge [sflag:s17], $0x1A00  }
0x56: {  	[sflag:s17] =	ssyncset.done $0x0  }
0x57: {  	s10 =	simm.s32 @!p0 $0x9C40;
	s11 =	rddreg [dreg:$0xc];
	[sflag:s17] =	ssyncadd.s32 $0xFFFFE600  }
0x58: {  	[spmem:s11] =	stream.linear.scatter @!p0 [tilespmem:s10], [sflag:$0xB], $0x400, $0x38;
	[tilespmem:$0x1B680] =	vst v63  }
0x59: {  	s10 =	simm.s32 @!p0 $0xB  }
0x5a: {  	_ =	swait.ge @!p0 [sflag:s10], $0x400  }
0x5b: {  	[sflag:s10] =	ssyncset.done @!p0 $0x0  }
0x5c: {  	[sflag:s10] =	ssyncadd.s32 @!p0 $0xFFFFFC00  }
0x5d: {  	s18 =	simm.s32 $0x0;
	[bflag:$0x0] =	sbarrier.arrive $0xFFFF  }
0x5e: {  	[tilespmem:s21], [sflag:$0x1] =	stream.indirect.gather [hbm4b:s1+s20], $0x40, s18, s20, $0xb8;
	[tilespmem:$0x1B680] =	vst v63  }
0x5f: {  	_ = 	snop  }
0x60: {  	[tilespmem:s22], [sflag:$0x2] =	stream.indirect.gather [hbm4b:s1+s20], $0x40, s20, s20, $0xb8;
	[tilespmem:$0x1B680] =	vst v63  }
0x61: {  	s11 =	simm.s32 $0xA0  }
0x62: {  	[tilespmem:s25], [sflag:$0x3] =	stream.indirect.gather [hbm4b:s1+s20], $0x40, s11, s20, $0xb8;
	[tilespmem:$0x1B680] =	vst v63  }
0x63: {  	s12 =	simm.s32 $0xF0  }
0x64: {  	[tilespmem:s28], [sflag:$0x4] =	stream.indirect.gather [hbm4b:s1+s20], $0x40, s12, s20, $0xb8;
	[tilespmem:$0x1B680] =	vst v63  }
0x65: {  	_ =	swait.ge [sflag:s29], $0x1400  }
0x66: {  	[sflag:s29] =	ssyncset.done $0x0  }
0x67: {  	[sflag:s29] =	ssyncadd.s32 $0xFFFFEC00  }
0x68: {  	[spmem:s3] =	stream.indirect.scatter.add.f32 [tilespmem:s21], [sflag:$0x6], $0x40, s13, s20, $0xb8;
	[tilespmem:$0x1B680] =	vst v63  }
0x69: {  	s18 =	simm.s32 $0x140  }
0x6a: {  	[tilespmem:s31], [sflag:$0x5] =	stream.indirect.gather [hbm4b:s1+s20], $0x40, s18, s20, $0xb8;
	[tilespmem:$0x1B680] =	vst v63  }
0x6b: {  	_ =	swait.ge [sflag:s0], $0x1400  }
0x6c: {  	[sflag:s0] =	ssyncset.done $0x0  }
0x6d: {  	s11 =	simm.s32 $0x4E70;
	[sflag:s0] =	ssyncadd.s32 $0xFFFFEC00  }
0x6e: {  	[spmem:s3] =	stream.indirect.scatter.add.f32 [tilespmem:s22], [sflag:$0x7], $0x40, s11, s20, $0xb8;
	[tilespmem:$0x1B680] =	vst v63  }
0x6f: {  	_ =	swait.ge [sflag:s26], $0x1400  }
0x70: {  	[sflag:s26] =	ssyncset.done $0x0  }
0x71: {  	s12 =	simm.s32 $0x190;
	[sflag:s26] =	ssyncadd.s32 $0xFFFFEC00  }
0x72: {  	[tilespmem:s21], [sflag:$0x1] =	stream.indirect.gather [hbm4b:s1+s20], $0x40, s12, s20, $0xb8;
	[tilespmem:$0x1B680] =	vst v63  }
0x73: {  	_ =	swait.ge [sflag:s23], $0x1400  }
0x74: {  	[sflag:s23] =	ssyncset.done $0x0  }
0x75: {  	s13 =	simm.s32 $0x4EC0;
	[sflag:s23] =	ssyncadd.s32 $0xFFFFEC00  }
0x76: {  	[spmem:s3] =	stream.indirect.scatter.add.f32 [tilespmem:s25], [sflag:$0x8], $0x40, s13, s20, $0xb8;
	[tilespmem:$0x1B680] =	vst v63  }
0x77: {  	_ =	swait.ge [sflag:s30], $0x1400  }
0x78: {  	[sflag:s30] =	ssyncset.done $0x0  }
0x79: {  	s18 =	simm.s32 $0x1E0;
	[sflag:s30] =	ssyncadd.s32 $0xFFFFEC00  }
0x7a: {  	[tilespmem:s22], [sflag:$0x2] =	stream.indirect.gather [hbm4b:s1+s20], $0x40, s18, s20, $0xb8;
	[tilespmem:$0x1B680] =	vst v63  }
0x7b: {  	_ =	swait.ge [sflag:s2], $0x1400  }
0x7c: {  	[sflag:s2] =	ssyncset.done $0x0  }
0x7d: {  	s11 =	simm.s32 $0x4F10;
	[sflag:s2] =	ssyncadd.s32 $0xFFFFEC00  }
0x7e: {  	[spmem:s3] =	stream.indirect.scatter.add.f32 [tilespmem:s28], [sflag:$0x9], $0x40, s11, s20, $0xb8;
	[tilespmem:$0x1B680] =	vst v63  }
0x7f: {  	_ =	swait.ge [sflag:s4], $0x1400  }
0x80: {  	[sflag:s4] =	ssyncset.done $0x0  }
0x81: {  	s12 =	simm.s32 $0x230;
	[sflag:s4] =	ssyncadd.s32 $0xFFFFEC00  }
0x82: {  	[tilespmem:s25], [sflag:$0x3] =	stream.indirect.gather [hbm4b:s1+s20], $0x40, s12, s20, $0xb8;
	[tilespmem:$0x1B680] =	vst v63  }
0x83: {  	_ =	swait.ge [sflag:s5], $0x1400  }
0x84: {  	[sflag:s5] =	ssyncset.done $0x0  }
0x85: {  	s13 =	simm.s32 $0x4F60;
	[sflag:s5] =	ssyncadd.s32 $0xFFFFEC00  }
0x86: {  	[spmem:s3] =	stream.indirect.scatter.add.f32 [tilespmem:s31], [sflag:$0xA], $0x40, s13, s20, $0xb8;
	[tilespmem:$0x1B680] =	vst v63  }
0x87: {  	_ =	swait.ge [sflag:s6], $0x1400  }
0x88: {  	[sflag:s6] =	ssyncset.done $0x0  }
0x89: {  	s18 =	simm.s32 $0x280;
	[sflag:s6] =	ssyncadd.s32 $0xFFFFEC00  }
0x8a: {  	[tilespmem:s28], [sflag:$0x4] =	stream.indirect.gather [hbm4b:s1+s20], $0x40, s18, s20, $0xb8;
	[tilespmem:$0x1B680] =	vst v63  }
0x8b: {  	_ =	swait.ge [sflag:s29], $0x1400  }
0x8c: {  	[sflag:s29] =	ssyncset.done $0x0  }
0x8d: {  	s11 =	simm.s32 $0x4FB0;
	[sflag:s29] =	ssyncadd.s32 $0xFFFFEC00  }
0x8e: {  	[spmem:s3] =	stream.indirect.scatter.add.f32 [tilespmem:s21], [sflag:$0x6], $0x40, s11, s20, $0xb8;
	[tilespmem:$0x1B680] =	vst v63  }
0x8f: {  	_ =	swait.ge [sflag:s8], $0x1400  }
0x90: {  	[sflag:s8] =	ssyncset.done $0x0  }
0x91: {  	s12 =	simm.s32 $0x2D0;
	[sflag:s8] =	ssyncadd.s32 $0xFFFFEC00  }
0x92: {  	[tilespmem:s31], [sflag:$0x5] =	stream.indirect.gather [hbm4b:s1+s20], $0x40, s12, s20, $0xb8;
	[tilespmem:$0x1B680] =	vst v63  }
0x93: {  	_ =	swait.ge [sflag:s0], $0x1400  }
0x94: {  	[sflag:s0] =	ssyncset.done $0x0  }
0x95: {  	s13 =	simm.s32 $0x5000;
	[sflag:s0] =	ssyncadd.s32 $0xFFFFEC00  }
0x96: {  	[spmem:s3] =	stream.indirect.scatter.add.f32 [tilespmem:s22], [sflag:$0x7], $0x40, s13, s20, $0xb8;
	[tilespmem:$0x1B680] =	vst v63  }
0x97: {  	_ =	swait.ge [sflag:s26], $0x1400  }
0x98: {  	[sflag:s26] =	ssyncset.done $0x0  }
0x99: {  	s18 =	simm.s32 $0x320;
	[sflag:s26] =	ssyncadd.s32 $0xFFFFEC00  }
0x9a: {  	[tilespmem:s21], [sflag:$0x1] =	stream.indirect.gather [hbm4b:s1+s20], $0x40, s18, s20, $0xb8;
	[tilespmem:$0x1B680] =	vst v63  }
0x9b: {  	_ =	swait.ge [sflag:s23], $0x1400  }
0x9c: {  	[sflag:s23] =	ssyncset.done $0x0  }
0x9d: {  	s11 =	simm.s32 $0x5050;
	[sflag:s23] =	ssyncadd.s32 $0xFFFFEC00  }
0x9e: {  	[spmem:s3] =	stream.indirect.scatter.add.f32 [tilespmem:s25], [sflag:$0x8], $0x40, s11, s20, $0xb8;
	[tilespmem:$0x1B680] =	vst v63  }
0x9f: {  	_ =	swait.ge [sflag:s30], $0x1400  }
0xa0: {  	[sflag:s30] =	ssyncset.done $0x0  }
0xa1: {  	s12 =	simm.s32 $0x370;
	[sflag:s30] =	ssyncadd.s32 $0xFFFFEC00  }
0xa2: {  	[tilespmem:s22], [sflag:$0x2] =	stream.indirect.gather [hbm4b:s1+s20], $0x40, s12, s20, $0xb8;
	[tilespmem:$0x1B680] =	vst v63  }
0xa3: {  	_ =	swait.ge [sflag:s2], $0x1400  }
0xa4: {  	[sflag:s2] =	ssyncset.done $0x0  }
0xa5: {  	s13 =	simm.s32 $0x50A0;
	[sflag:s2] =	ssyncadd.s32 $0xFFFFEC00  }
0xa6: {  	[spmem:s3] =	stream.indirect.scatter.add.f32 [tilespmem:s28], [sflag:$0x9], $0x40, s13, s20, $0xb8;
	[tilespmem:$0x1B680] =	vst v63  }
0xa7: {  	_ =	swait.ge [sflag:s4], $0x1400  }
0xa8: {  	[sflag:s4] =	ssyncset.done $0x0  }
0xa9: {  	s18 =	simm.s32 $0x3C0;
	[sflag:s4] =	ssyncadd.s32 $0xFFFFEC00  }
0xaa: {  	[tilespmem:s25], [sflag:$0x3] =	stream.indirect.gather [hbm4b:s1+s20], $0x40, s18, s20, $0xb8;
	[tilespmem:$0x1B680] =	vst v63  }
0xab: {  	_ =	swait.ge [sflag:s5], $0x1400  }
0xac: {  	[sflag:s5] =	ssyncset.done $0x0  }
0xad: {  	s10 =	simm.s32 $0x640;
	s11 =	simm.s32 $0x50F0;
	[sflag:s5] =	ssyncadd.s32 $0xFFFFEC00  }
.LBB2_6:
0xae: {  	[spmem:s3] =	stream.indirect.scatter.add.f32 [tilespmem:s31], [sflag:$0xA], $0x40, s11, s20, $0xb8;
	[tilespmem:$0x1B680] =	vst v63  }
0xaf: {  	s11 =	smov.u32 s10;
	s10 =	sadd.s32 $0x640, s10;
	_ =	swait.ge [sflag:s6], $0x1400  }
0xb0: {  	s11 =	sshra.s32 s11, $0x2;
	p2 =	sne.s32 s10, $0x12C00;
	[sflag:s6] =	ssyncset.done $0x0  }
0xb1: {  	s12 =	sadd.s32 $0x280, s11;
	[sflag:s6] =	ssyncadd.s32 $0xFFFFEC00  }
0xb2: {  	[tilespmem:s28], [sflag:$0x4] =	stream.indirect.gather [hbm4b:s1+s20], $0x40, s12, s20, $0xb8;
	[tilespmem:$0x1B680] =	vst v63  }
0xb3: {  	_ =	swait.ge [sflag:s29], $0x1400  }
0xb4: {  	[sflag:s29] =	ssyncset.done $0x0  }
0xb5: {  	s12 =	sadd.s32 $0x4FB0, s11;
	[sflag:s29] =	ssyncadd.s32 $0xFFFFEC00  }
0xb6: {  	[spmem:s3] =	stream.indirect.scatter.add.f32 [tilespmem:s21], [sflag:$0x6], $0x40, s12, s20, $0xb8;
	[tilespmem:$0x1B680] =	vst v63  }
0xb7: {  	_ =	swait.ge [sflag:s8], $0x1400  }
0xb8: {  	[sflag:s8] =	ssyncset.done $0x0  }
0xb9: {  	s12 =	sadd.s32 $0x2D0, s11;
	[sflag:s8] =	ssyncadd.s32 $0xFFFFEC00  }
0xba: {  	[tilespmem:s31], [sflag:$0x5] =	stream.indirect.gather [hbm4b:s1+s20], $0x40, s12, s20, $0xb8;
	[tilespmem:$0x1B680] =	vst v63  }
0xbb: {  	_ =	swait.ge [sflag:s0], $0x1400  }
0xbc: {  	[sflag:s0] =	ssyncset.done $0x0  }
0xbd: {  	s12 =	sadd.s32 $0x5000, s11;
	[sflag:s0] =	ssyncadd.s32 $0xFFFFEC00  }
0xbe: {  	[spmem:s3] =	stream.indirect.scatter.add.f32 [tilespmem:s22], [sflag:$0x7], $0x40, s12, s20, $0xb8;
	[tilespmem:$0x1B680] =	vst v63  }
0xbf: {  	_ =	swait.ge [sflag:s26], $0x1400  }
0xc0: {  	[sflag:s26] =	ssyncset.done $0x0  }
0xc1: {  	s12 =	sadd.s32 $0x320, s11;
	[sflag:s26] =	ssyncadd.s32 $0xFFFFEC00  }
0xc2: {  	[tilespmem:s21], [sflag:$0x1] =	stream.indirect.gather [hbm4b:s1+s20], $0x40, s12, s20, $0xb8;
	[tilespmem:$0x1B680] =	vst v63  }
0xc3: {  	_ =	swait.ge [sflag:s23], $0x1400  }
0xc4: {  	[sflag:s23] =	ssyncset.done $0x0  }
0xc5: {  	s12 =	sadd.s32 $0x5050, s11;
	[sflag:s23] =	ssyncadd.s32 $0xFFFFEC00  }
0xc6: {  	[spmem:s3] =	stream.indirect.scatter.add.f32 [tilespmem:s25], [sflag:$0x8], $0x40, s12, s20, $0xb8;
	[tilespmem:$0x1B680] =	vst v63  }
0xc7: {  	_ =	swait.ge [sflag:s30], $0x1400  }
0xc8: {  	[sflag:s30] =	ssyncset.done $0x0  }
0xc9: {  	s12 =	sadd.s32 $0x370, s11;
	[sflag:s30] =	ssyncadd.s32 $0xFFFFEC00  }
0xca: {  	[tilespmem:s22], [sflag:$0x2] =	stream.indirect.gather [hbm4b:s1+s20], $0x40, s12, s20, $0xb8;
	[tilespmem:$0x1B680] =	vst v63  }
0xcb: {  	_ =	swait.ge [sflag:s2], $0x1400  }
0xcc: {  	[sflag:s2] =	ssyncset.done $0x0  }
0xcd: {  	s12 =	sadd.s32 $0x50A0, s11;
	[sflag:s2] =	ssyncadd.s32 $0xFFFFEC00  }
0xce: {  	[spmem:s3] =	stream.indirect.scatter.add.f32 [tilespmem:s28], [sflag:$0x9], $0x40, s12, s20, $0xb8;
	[tilespmem:$0x1B680] =	vst v63  }
0xcf: {  	_ =	swait.ge [sflag:s4], $0x1400  }
0xd0: {  	[sflag:s4] =	ssyncset.done $0x0  }
.Ltmp2:
0xd1: {  	s12 =	sadd.s32 $0x3C0, s11;
	[sflag:s4] =	ssyncadd.s32 $0xFFFFEC00;
	(pc) =	sbr.rel @p2 .LBB2_6-.Ltmp2, $4  }
0xd2: {  	[tilespmem:s25], [sflag:$0x3] =	stream.indirect.gather [hbm4b:s1+s20], $0x40, s12, s20, $0xb8;
	[tilespmem:$0x1B680] =	vst v63  }
0xd3: {  	_ =	swait.ge [sflag:s5], $0x1400  }
0xd4: {  	[sflag:s5] =	ssyncset.done $0x0  }
0xd5: {  	s11 =	sadd.s32 $0x50F0, s11;
	[sflag:s5] =	ssyncadd.s32 $0xFFFFEC00  }
0xd6: {  	[spmem:s3] =	stream.indirect.scatter.add.f32 [tilespmem:s31], [sflag:$0xA], $0x40, s11, s20, $0xb8;
	[tilespmem:$0x1B680] =	vst v63  }
0xd7: {  	_ =	swait.ge [sflag:s6], $0x1400  }
0xd8: {  	s10 =	sshra.s32 s10, $0x2;
	[sflag:s6] =	ssyncset.done $0x0  }
0xd9: {  	s12 =	sadd.s32 $0x280, s10;
	[sflag:s6] =	ssyncadd.s32 $0xFFFFEC00  }
0xda: {  	[tilespmem:s28], [sflag:$0x4] =	stream.indirect.gather [hbm4b:s1+s20], $0x40, s12, s20, $0xb8;
	[tilespmem:$0x1B680] =	vst v63  }
0xdb: {  	_ =	swait.ge [sflag:s29], $0x1400  }
0xdc: {  	[sflag:s29] =	ssyncset.done $0x0  }
0xdd: {  	s13 =	sadd.s32 $0x4FB0, s10;
	[sflag:s29] =	ssyncadd.s32 $0xFFFFEC00  }
0xde: {  	[spmem:s3] =	stream.indirect.scatter.add.f32 [tilespmem:s21], [sflag:$0x6], $0x40, s13, s20, $0xb8;
	[tilespmem:$0x1B680] =	vst v63  }
0xdf: {  	_ =	swait.ge [sflag:s8], $0x1400  }
0xe0: {  	[sflag:s8] =	ssyncset.done $0x0  }
0xe1: {  	s18 =	simm.s32 $0x4DD0;
	[sflag:s8] =	ssyncadd.s32 $0xFFFFEC00  }
0xe2: {  	[tilespmem:s31], [sflag:$0x5] =	stream.indirect.gather [hbm4b:s1+s20], $0x40, s18, s20, $0xb8;
	[tilespmem:$0x1B680] =	vst v63  }
0xe3: {  	_ =	swait.ge [sflag:s0], $0x1400  }
0xe4: {  	[sflag:s0] =	ssyncset.done $0x0  }
0xe5: {  	s12 =	sadd.s32 $0x5000, s10;
	[sflag:s0] =	ssyncadd.s32 $0xFFFFEC00  }
0xe6: {  	[spmem:s3] =	stream.indirect.scatter.add.f32 [tilespmem:s22], [sflag:$0x7], $0x40, s12, s20, $0xb8;
	[tilespmem:$0x1B680] =	vst v63  }
0xe7: {  	_ =	swait.ge [sflag:s26], $0x1400  }
0xe8: {  	[sflag:s26] =	ssyncset.done $0x0  }
0xe9: {  	[sflag:s26] =	ssyncadd.s32 $0xFFFFEC00  }
0xea: {  	_ =	swait.ge [sflag:s23], $0x1400  }
0xeb: {  	[sflag:s23] =	ssyncset.done $0x0  }
0xec: {  	s13 =	sadd.s32 $0x5050, s10;
	[sflag:s23] =	ssyncadd.s32 $0xFFFFEC00  }
0xed: {  	[spmem:s3] =	stream.indirect.scatter.add.f32 [tilespmem:s25], [sflag:$0x8], $0x40, s13, s20, $0xb8;
	[tilespmem:$0x1B680] =	vst v63  }
0xee: {  	_ =	swait.ge [sflag:s30], $0x1400  }
0xef: {  	[sflag:s30] =	ssyncset.done $0x0  }
0xf0: {  	[sflag:s30] =	ssyncadd.s32 $0xFFFFEC00  }
0xf1: {  	_ =	swait.ge [sflag:s2], $0x1400  }
0xf2: {  	[sflag:s2] =	ssyncset.done $0x0  }
0xf3: {  	s10 =	sadd.s32 $0x50A0, s10;
	[sflag:s2] =	ssyncadd.s32 $0xFFFFEC00  }
0xf4: {  	[spmem:s3] =	stream.indirect.scatter.add.f32 [tilespmem:s28], [sflag:$0x9], $0x40, s10, s20, $0xb8;
	[tilespmem:$0x1B680] =	vst v63  }
0xf5: {  	_ =	swait.ge [sflag:s4], $0x1400  }
0xf6: {  	[sflag:s4] =	ssyncset.done $0x0  }
0xf7: {  	[sflag:s4] =	ssyncadd.s32 $0xFFFFEC00  }
0xf8: {  	_ =	swait.ge [sflag:s5], $0x1400  }
0xf9: {  	[sflag:s5] =	ssyncset.done $0x0  }
0xfa: {  	s18 =	simm.s32 $0x9BF0;
	[sflag:s5] =	ssyncadd.s32 $0xFFFFEC00  }
0xfb: {  	[spmem:s3] =	stream.indirect.scatter.add.f32 [tilespmem:s31], [sflag:$0xA], $0x40, s18, s20, $0xb8;
	[tilespmem:$0x1B680] =	vst v63  }
0xfc: {  	_ =	swait.ge [sflag:s6], $0x1400  }
0xfd: {  	[sflag:s6] =	ssyncset.done $0x0  }
0xfe: {  	[sflag:s6] =	ssyncadd.s32 $0xFFFFEC00  }
0xff: {  	_ =	swait.ge [sflag:s8], $0x1400  }
0x100: {  	s11 =	simm.s32 @p1 $0x10;
	[sflag:s8] =	ssyncset.done $0x0  }
0x101: {  	s9 =	sadd.s32 $0x1, s9;
	s12 =	simm.s32 @p1 $0x8;
	[sflag:s8] =	ssyncadd.s32 $0xFFFFEC00  }
0x102: {  	s13 =	simm.s32 @p1 $0x1FCB;
	s10 =	simm.s32 @p1 $0x1;
	[bflag:$0x0] =	sbarrier.arrive $0xFFFF  }
0x103: {  	[hbm:s15@s11], [sflag:s13] =	dma.strided @p1 [spmem:s24@s12], $0x1400, s10, $0x8   }
0x104: {  	p2 =	sne.s32 s9, s16;
	s18 =	simm.s32 @!p1 $0x8;
	s10 =	simm.s32 @p1 $0xB  }
0x105: {  	s11 =	stileid.u32;
	s12 =	simm.s32 @!p1 $0x1;
	_ =	swait.ge @p1 [sflag:s10], $0x1400  }
0x106: {  	s13 =	simm.s32 @!p1 $0x10;
	s11 =	sshll.u32 @!p1 s11, $0x6;
	[sflag:s10] =	ssyncset.done @p1 $0x0  }
0x107: {  	[sflag:s10] =	ssyncadd.s32 @p1 $0xFFFFEC00;
	s10 =	sor.u32 @!p1 $0x1C0B, s11;
	s11 =	sshrl.u32 @!p1 s7, $0x3  }
0x108: {  	[hbm:s14@s13], [sflag:s10] =	dma.strided @!p1 [spmem:s11@s18], $0x1380, s12, $0x8   }
.Ltmp3:
0x109: {  	_ = 	snop;
	(pc) =	sbr.rel @p2 .LBB2_1-.Ltmp3, $4  }
0x10a: {  	s10 =	simm.s32 @!p1 $0xB  }
0x10b: {  	_ =	swait.ge @!p1 [sflag:s10], $0x1380  }
0x10c: {  	[sflag:s10] =	ssyncset.done @!p1 $0x0  }
0x10d: {  	s13 =	simm.s32 $0x4E20;
	[sflag:s10] =	ssyncadd.s32 @!p1 $0xFFFFEC80  }
0x10e: {  	_ =	sfence.sel $0x180000  }
0x10f: {  	[bflag:$0x0] =	sbarrier.arrive $0xFFFF  }
0x110: {  	_ =	strace $0x90000047  }
0x111: {  	s0 =	stileid.u32;
	[bflag:$0x2] =	sbarrier.arrive $0xFFFF  }
0x112: {  	p0 =	sne.s32 s0, $0x0;
	s0 =	rddreg [dreg:$0x4]  }
0x113: {  	s0 =	sadd.s32 @!p0 $0x100000, s0  }
0x114: {  	[sflag:s0] =	ssyncadd.tile.s32 @!p0 $0x1;
	_ =	shalt  }
.Lfunc_end2:
_tile_overlayer_lowered:
.L_overlay_start_2:
0x115: {  	(tag) =	ssettag $0x2  }
0x116: {  	s0 =	rddreg [dreg:$0x0];
	s2 =	stileid.u32  }
0x117: {  	s1 =	rddreg [dreg:$0x1];
	p0 =	sne.s32 s2, $0x0  }
0x118: {  	s3 =	rddreg [dreg:$0x2];
	[bflag:$0x3] =	sbarrier.arrive $0xFFFF;
	s2 =	simm.s32 @!p0 $0x1C0B  }
0x119: {  	[timem:s3], [sflag:s2] =	dma.local @!p0 [hbm:s0], s1  }
0x11a: {  	s0 =	simm.s32 @!p0 $0xB  }
0x11b: {  	_ =	swait.ge @!p0 [sflag:s0], s1  }
0x11c: {  	s1 =	ssub.s32 @!p0 $0x0, s1;
	[sflag:s0] =	ssyncset.done @!p0 $0x0  }
0x11d: {  	[sflag:s0] =	ssyncadd.s32 @!p0 s1  }
0x11e: {  	[bflag:$0x3] =	sbarrier.arrive $0xFFFF  }
0x11f: {  	_ =	shalt  }

</sc_bundles>
